<compile_context>
chip_gen: v7x
topology: tpu7x:2x2x1
jax: 0.10.2.dev20260603
libtpu: 0.0.44.dev20260713+nightly
codegen_flags: <defaults>
</compile_context>

<pallas_src>
import functools

import jax
import jax.numpy as jnp
from jax import lax
from jax.experimental import pallas as pl
from jax.experimental.pallas import tpu as pltpu
from jax.experimental.pallas import tpu_sc as plsc

B = 2
S = 2048
D = 3584
NC, NS = 2, 16
NW = NC * NS
BPW = (B * S) // NW
WPR = S // BPW
CH = 16
NCHUNK = BPW // CH


@functools.partial(
    pl.kernel,
    out_type=jax.ShapeDtypeStruct((B, S, D), jnp.float32),
    mesh=plsc.VectorSubcoreMesh(core_axis_name="c", subcore_axis_name="s"),
    scratch_types=[
        pltpu.VMEM((BPW,), jnp.int32),
        pltpu.VMEM((2, CH, D), jnp.float32),
        pltpu.SemaphoreType.DMA((2,)),
        pltpu.SemaphoreType.DMA((2,)),
    ],
)
def _gather_call(ids_hbm, table_hbm, out_hbm, idx_v, rows_v, in_sems, out_sems):
    wid = lax.axis_index("s") * NC + lax.axis_index("c")
    b = wid // WPR
    s0 = (wid % WPR) * BPW
    pltpu.sync_copy(ids_hbm.at[b, pl.ds(s0, BPW)], idx_v)

    def gather(c, buf):
        return pltpu.make_async_copy(
            table_hbm.at[idx_v.at[pl.ds(pl.multiple_of(c * CH, 8), CH)]],
            rows_v.at[buf],
            in_sems.at[buf],
        )

    def put(c, buf):
        return pltpu.make_async_copy(
            rows_v.at[buf],
            out_hbm.at[b, pl.ds(s0 + c * CH, CH)],
            out_sems.at[buf],
        )

    gather(0, 0).start()
    gather(1, 1).start()
    gather(0, 0).wait()
    put(0, 0).start()

    @pl.loop(0, (NCHUNK - 2) // 2)
    def _(g):
        c1 = 2 * g + 1
        put(c1 - 1, 0).wait()
        gather(c1 + 1, 0).start()
        gather(c1, 1).wait()
        put(c1, 1).start()
        c2 = 2 * g + 2
        put(c2 - 1, 1).wait()
        gather(c2 + 1, 1).start()
        gather(c2, 0).wait()
        put(c2, 0).start()

    cl = NCHUNK - 1
    gather(cl, 1).wait()
    put(cl, 1).start()
    put(cl - 1, 0).wait()
    put(cl, 1).wait()


def kernel(input_ids, table):
    return _gather_call(input_ids.astype(jnp.int32), table)

# --- scband reference (transcript-rebuilt; emitter-appended) ---
"""Pipeline reference for scband-embedding-wrapper-76072460746826 (READ-ONLY COPY).

The authoritative reference and input builder live on the scoring server;
editing this copy changes nothing except your own understanding.
"""

import jax, jax.numpy as jnp
import numpy as np

VOCAB = 152064
D = 3584
B = 2
S = 2048

def setup_inputs(seed: int = 0) -> dict:
    key = jax.random.key(seed)
    k1, k2 = jax.random.split(key)
    input_ids = jax.random.randint(k1, (B, S), 0, VOCAB)
    table = jax.random.normal(k2, (VOCAB, D), dtype=jnp.float32) * 0.02
    return {"input_ids": input_ids, "table": table}

def reference(input_ids, table):
    # nn.Embedding forward: pure row gather from the embedding table
    return jnp.take(table, input_ids, axis=0)

if __name__ == "__main__":
    import jax
    _d = setup_inputs()
    print(jax.jit(kernel)(*tuple(_d.values())))

</pallas_src>

<mosaic_0001>
#map = affine_map<(d0, d1) -> (0, 0)>
#map1 = affine_map<(d0, d1) -> (0, 0, 0)>
module attributes {stable_mosaic.version = 14 : i64} {
  func.func @_gather_call(%arg0: i32, %arg1: i32, %arg2: memref<2x2048xi32, #tpu.memory_space<hbm>>, %arg3: memref<152064x3584xf32, #tpu.memory_space<hbm>>, %arg4: memref<2x2048x3584xf32, #tpu.memory_space<hbm>>, %arg5: memref<128xi32, #tpu.memory_space<vmem>>, %arg6: memref<2x16x3584xf32, #tpu.memory_space<vmem>>, %arg7: memref<2x!tpu.dma_semaphore, #tpu.memory_space<semaphore_mem>>, %arg8: memref<2x!tpu.dma_semaphore, #tpu.memory_space<semaphore_mem>>) attributes {dimension_semantics = [#tpu.dimension_semantics<core_parallel>, #tpu.dimension_semantics<subcore_parallel>], iteration_bounds = array<i64: 2, 16>, scalar_prefetch = 0 : i64, scratch_operands = 4 : i64, tpu.core_type = #tpu.core_type<sc_vector_subcore>, window_params = [{transform_indices = #map}, {transform_indices = #map}, {transform_indices = #map1}]} {
    %mul3A = arith.constant 2 : i32
    %mul3A_0 = arith.muli %arg1, %mul3A : i32
    %add3A = arith.addi %mul3A_0, %arg0 : i32
    %jit3A = arith.constant 16 : i32
    %div3A = arith.divsi %add3A, %jit3A : i32
    %sign3A = arith.constant 0 : i32
    %sign3A_1 = arith.cmpi sgt, %add3A, %sign3A : i32
    %sign3A_2 = arith.extui %sign3A_1 : i1 to i32
    %sign3A_3 = arith.constant 0 : i32
    %sign3A_4 = arith.cmpi slt, %add3A, %sign3A_3 : i32
    %sign3A_5 = arith.extui %sign3A_4 : i1 to i32
    %sign3A_6 = arith.subi %sign3A_2, %sign3A_5 : i32
    %sign3A_7 = arith.constant 0 : i32
    %sign3A_8 = arith.cmpi sgt, %jit3A, %sign3A_7 : i32
    %sign3A_9 = arith.extui %sign3A_8 : i1 to i32
    %sign3A_10 = arith.constant 0 : i32
    %sign3A_11 = arith.cmpi slt, %jit3A, %sign3A_10 : i32
    %sign3A_12 = arith.extui %sign3A_11 : i1 to i32
    %sign3A_13 = arith.subi %sign3A_9, %sign3A_12 : i32
    %ne3A = arith.cmpi ne, %sign3A_6, %sign3A_13 : i32
    %rem3A = arith.remsi %add3A, %jit3A : i32
    %ne3A_14 = arith.constant 0 : i32
    %ne3A_15 = arith.cmpi ne, %rem3A, %ne3A_14 : i32
    %and3A = arith.andi %ne3A, %ne3A_15 : i1
    %sub3A = arith.constant 1 : i32
    %sub3A_16 = arith.subi %div3A, %sub3A : i32
    %select_n3A = arith.select %and3A, %sub3A_16, %div3A : i32
    %jit3A_17 = arith.constant 16 : i32
    %eq3A = arith.constant 0 : i32
    %eq3A_18 = arith.cmpi eq, %jit3A_17, %eq3A : i32
    %jit3A_19 = arith.constant 1 : i32
    %select_n3A_20 = arith.select %eq3A_18, %jit3A_19, %jit3A_17 : i32
    %rem3A_21 = arith.remsi %add3A, %select_n3A_20 : i32
    %ne3A_22 = arith.constant 0 : i32
    %ne3A_23 = arith.cmpi ne, %rem3A_21, %ne3A_22 : i32
    %lt3A = arith.constant 0 : i32
    %lt3A_24 = arith.cmpi slt, %rem3A_21, %lt3A : i32
    %lt3A_25 = arith.constant 0 : i32
    %lt3A_26 = arith.cmpi slt, %select_n3A_20, %lt3A_25 : i32
    %ne3A_27 = arith.xori %lt3A_24, %lt3A_26 : i1
    %and3A_28 = arith.andi %ne3A_27, %ne3A_23 : i1
    %add3A_29 = arith.addi %rem3A_21, %select_n3A_20 : i32
    %select_n3A_30 = arith.select %and3A_28, %add3A_29, %rem3A_21 : i32
    %mul3A_31 = arith.constant 128 : i32
    %mul3A_32 = arith.muli %select_n3A_30, %mul3A_31 : i32
    "tpu.region"() ({
      %run_scoped3A = tpu.sem_alloc : memref<!tpu.dma_semaphore, #tpu.memory_space<semaphore_mem>>
      %dma_start3A_170 = tpu.memref_slice %arg2[%select_n3A, %mul3A_32] : memref<2x2048xi32, #tpu.memory_space<hbm>> -> memref<1x128xi32, #tpu.memory_space<hbm>>
      %dma_start3A_171 = tpu.memref_squeeze %dma_start3A_170 : memref<1x128xi32, #tpu.memory_space<hbm>> -> memref<128xi32, #tpu.memory_space<hbm>>
      %dma_start3A_172 = tpu.memref_slice %arg2[%select_n3A, %mul3A_32] : memref<2x2048xi32, #tpu.memory_space<hbm>> -> memref<1x128xi32, #tpu.memory_space<hbm>>
      %dma_start3A_173 = tpu.memref_squeeze %dma_start3A_172 : memref<1x128xi32, #tpu.memory_space<hbm>> -> memref<128xi32, #tpu.memory_space<hbm>>
      tpu.enqueue_dma source(%dma_start3A_173 : memref<128xi32, #tpu.memory_space<hbm>>) target(%arg5 : memref<128xi32, #tpu.memory_space<vmem>>) target_semaphore(%run_scoped3A : memref<!tpu.dma_semaphore, #tpu.memory_space<semaphore_mem>>)
      %dma_wait3A_174 = tpu.memref_slice %arg2[%select_n3A, %mul3A_32] : memref<2x2048xi32, #tpu.memory_space<hbm>> -> memref<1x128xi32, #tpu.memory_space<hbm>>
      %dma_wait3A_175 = tpu.memref_squeeze %dma_wait3A_174 : memref<1x128xi32, #tpu.memory_space<hbm>> -> memref<128xi32, #tpu.memory_space<hbm>>
      %dma_wait3A_176 = tpu.memref_slice %arg2[%select_n3A, %mul3A_32] : memref<2x2048xi32, #tpu.memory_space<hbm>> -> memref<1x128xi32, #tpu.memory_space<hbm>>
      %dma_wait3A_177 = tpu.memref_squeeze %dma_wait3A_176 : memref<1x128xi32, #tpu.memory_space<hbm>> -> memref<128xi32, #tpu.memory_space<hbm>>
      tpu.wait_dma2 semaphore(%run_scoped3A : memref<!tpu.dma_semaphore, #tpu.memory_space<semaphore_mem>>) src(%dma_wait3A_177 : memref<128xi32, #tpu.memory_space<hbm>>) dst(%arg5 : memref<128xi32, #tpu.memory_space<vmem>>)
      tpu.yield
    }) : () -> ()
    %multiple_of3A = arith.constant 0 : i32
    %multiple_of3A_33 = tpu.assume_multiple %multiple_of3A, 8 : i32
    %dma_start3A = arith.constant 0 : i32
    %dma_start3A_34 = arith.constant 0 : i32
    %dma_start3A_35 = arith.constant 0 : i32
    %dma_start3A_36 = arith.constant 0 : i32
    %dma_start3A_37 = tpu.memref_slice %arg6[%dma_start3A, %dma_start3A_35, %dma_start3A_36] : memref<2x16x3584xf32, #tpu.memory_space<vmem>> -> memref<1x16x3584xf32, #tpu.memory_space<vmem>>
    %dma_start3A_38 = tpu.memref_squeeze %dma_start3A_37 : memref<1x16x3584xf32, #tpu.memory_space<vmem>> -> memref<16x3584xf32, #tpu.memory_space<vmem>>
    %dma_start3A_39 = tpu.memref_slice %arg5[%multiple_of3A_33] : memref<128xi32, #tpu.memory_space<vmem>> -> memref<16xi32, #tpu.memory_space<vmem>>
    %dma_start3A_40 = arith.constant 0 : i32
    %dma_start3A_41 = arith.constant 0 : i32
    %dma_start3A_42 = tpu.memref_slice %arg3[%dma_start3A_40, %dma_start3A_41] : memref<152064x3584xf32, #tpu.memory_space<hbm>> -> memref<152064x3584xf32, #tpu.memory_space<hbm>>
    %dma_start3A_43 = tpu.memref_slice %arg7[%dma_start3A_34] : memref<2x!tpu.dma_semaphore, #tpu.memory_space<semaphore_mem>> -> memref<1x!tpu.dma_semaphore, #tpu.memory_space<semaphore_mem>>
    %dma_start3A_44 = tpu.memref_squeeze %dma_start3A_43 : memref<1x!tpu.dma_semaphore, #tpu.memory_space<semaphore_mem>> -> memref<!tpu.dma_semaphore, #tpu.memory_space<semaphore_mem>>
    tpu.enqueue_indirect_dma source(%dma_start3A_42 : memref<152064x3584xf32, #tpu.memory_space<hbm>>) target(%dma_start3A_38 : memref<16x3584xf32, #tpu.memory_space<vmem>>) offsets(%dma_start3A_39 : memref<16xi32, #tpu.memory_space<vmem>>) semaphore(%dma_start3A_44 : memref<!tpu.dma_semaphore, #tpu.memory_space<semaphore_mem>>)
    %multiple_of3A_45 = arith.constant 16 : i32
    %multiple_of3A_46 = tpu.assume_multiple %multiple_of3A_45, 8 : i32
    %dma_start3A_47 = arith.constant 1 : i32
    %dma_start3A_48 = arith.constant 1 : i32
    %dma_start3A_49 = arith.constant 0 : i32
    %dma_start3A_50 = arith.constant 0 : i32
    %dma_start3A_51 = tpu.memref_slice %arg6[%dma_start3A_47, %dma_start3A_49, %dma_start3A_50] : memref<2x16x3584xf32, #tpu.memory_space<vmem>> -> memref<1x16x3584xf32, #tpu.memory_space<vmem>>
    %dma_start3A_52 = tpu.memref_squeeze %dma_start3A_51 : memref<1x16x3584xf32, #tpu.memory_space<vmem>> -> memref<16x3584xf32, #tpu.memory_space<vmem>>
    %dma_start3A_53 = tpu.memref_slice %arg5[%multiple_of3A_46] : memref<128xi32, #tpu.memory_space<vmem>> -> memref<16xi32, #tpu.memory_space<vmem>>
    %dma_start3A_54 = arith.constant 0 : i32
    %dma_start3A_55 = arith.constant 0 : i32
    %dma_start3A_56 = tpu.memref_slice %arg3[%dma_start3A_54, %dma_start3A_55] : memref<152064x3584xf32, #tpu.memory_space<hbm>> -> memref<152064x3584xf32, #tpu.memory_space<hbm>>
    %dma_start3A_57 = tpu.memref_slice %arg7[%dma_start3A_48] : memref<2x!tpu.dma_semaphore, #tpu.memory_space<semaphore_mem>> -> memref<1x!tpu.dma_semaphore, #tpu.memory_space<semaphore_mem>>
    %dma_start3A_58 = tpu.memref_squeeze %dma_start3A_57 : memref<1x!tpu.dma_semaphore, #tpu.memory_space<semaphore_mem>> -> memref<!tpu.dma_semaphore, #tpu.memory_space<semaphore_mem>>
    tpu.enqueue_indirect_dma source(%dma_start3A_56 : memref<152064x3584xf32, #tpu.memory_space<hbm>>) target(%dma_start3A_52 : memref<16x3584xf32, #tpu.memory_space<vmem>>) offsets(%dma_start3A_53 : memref<16xi32, #tpu.memory_space<vmem>>) semaphore(%dma_start3A_58 : memref<!tpu.dma_semaphore, #tpu.memory_space<semaphore_mem>>)
    %multiple_of3A_59 = arith.constant 0 : i32
    %multiple_of3A_60 = tpu.assume_multiple %multiple_of3A_59, 8 : i32
    %dma_wait3A = arith.constant 0 : i32
    %dma_wait3A_61 = arith.constant 0 : i32
    %dma_wait3A_62 = arith.constant 0 : i32
    %dma_wait3A_63 = arith.constant 0 : i32
    %dma_wait3A_64 = tpu.memref_slice %arg6[%dma_wait3A, %dma_wait3A_62, %dma_wait3A_63] : memref<2x16x3584xf32, #tpu.memory_space<vmem>> -> memref<1x16x3584xf32, #tpu.memory_space<vmem>>
    %dma_wait3A_65 = tpu.memref_squeeze %dma_wait3A_64 : memref<1x16x3584xf32, #tpu.memory_space<vmem>> -> memref<16x3584xf32, #tpu.memory_space<vmem>>
    %dma_wait3A_66 = tpu.memref_slice %arg5[%multiple_of3A_60] : memref<128xi32, #tpu.memory_space<vmem>> -> memref<16xi32, #tpu.memory_space<vmem>>
    %dma_wait3A_67 = arith.constant 0 : i32
    %dma_wait3A_68 = arith.constant 0 : i32
    %dma_wait3A_69 = tpu.memref_slice %arg3[%dma_wait3A_67, %dma_wait3A_68] : memref<152064x3584xf32, #tpu.memory_space<hbm>> -> memref<152064x3584xf32, #tpu.memory_space<hbm>>
    %dma_wait3A_70 = tpu.memref_slice %arg7[%dma_wait3A_61] : memref<2x!tpu.dma_semaphore, #tpu.memory_space<semaphore_mem>> -> memref<1x!tpu.dma_semaphore, #tpu.memory_space<semaphore_mem>>
    %dma_wait3A_71 = tpu.memref_squeeze %dma_wait3A_70 : memref<1x!tpu.dma_semaphore, #tpu.memory_space<semaphore_mem>> -> memref<!tpu.dma_semaphore, #tpu.memory_space<semaphore_mem>>
    tpu.wait_indirect_dma semaphore(%dma_wait3A_71 : memref<!tpu.dma_semaphore, #tpu.memory_space<semaphore_mem>>) src(%dma_wait3A_69 : memref<152064x3584xf32, #tpu.memory_space<hbm>>) dst(%dma_wait3A_65 : memref<16x3584xf32, #tpu.memory_space<vmem>>)
    %add3A_72 = arith.constant 0 : i32
    %add3A_73 = arith.addi %mul3A_32, %add3A_72 : i32
    %dma_start3A_74 = arith.constant 0 : i32
    %dma_start3A_75 = arith.constant 0 : i32
    %dma_start3A_76 = arith.constant 0 : i32
    %dma_start3A_77 = arith.constant 0 : i32
    %dma_start3A_78 = tpu.memref_slice %arg6[%dma_start3A_74, %dma_start3A_76, %dma_start3A_77] : memref<2x16x3584xf32, #tpu.memory_space<vmem>> -> memref<1x16x3584xf32, #tpu.memory_space<vmem>>
    %dma_start3A_79 = tpu.memref_squeeze %dma_start3A_78 : memref<1x16x3584xf32, #tpu.memory_space<vmem>> -> memref<16x3584xf32, #tpu.memory_space<vmem>>
    %dma_start3A_80 = arith.constant 0 : i32
    %dma_start3A_81 = tpu.memref_slice %arg4[%select_n3A, %add3A_73, %dma_start3A_80] : memref<2x2048x3584xf32, #tpu.memory_space<hbm>> -> memref<1x16x3584xf32, #tpu.memory_space<hbm>>
    %dma_start3A_82 = tpu.memref_squeeze %dma_start3A_81 : memref<1x16x3584xf32, #tpu.memory_space<hbm>> -> memref<16x3584xf32, #tpu.memory_space<hbm>>
    %dma_start3A_83 = tpu.memref_slice %arg8[%dma_start3A_75] : memref<2x!tpu.dma_semaphore, #tpu.memory_space<semaphore_mem>> -> memref<1x!tpu.dma_semaphore, #tpu.memory_space<semaphore_mem>>
    %dma_start3A_84 = tpu.memref_squeeze %dma_start3A_83 : memref<1x!tpu.dma_semaphore, #tpu.memory_space<semaphore_mem>> -> memref<!tpu.dma_semaphore, #tpu.memory_space<semaphore_mem>>
    %dma_start3A_85 = arith.constant 0 : i32
    %dma_start3A_86 = tpu.memref_slice %arg4[%select_n3A, %add3A_73, %dma_start3A_85] : memref<2x2048x3584xf32, #tpu.memory_space<hbm>> -> memref<1x16x3584xf32, #tpu.memory_space<hbm>>
    %dma_start3A_87 = tpu.memref_squeeze %dma_start3A_86 : memref<1x16x3584xf32, #tpu.memory_space<hbm>> -> memref<16x3584xf32, #tpu.memory_space<hbm>>
    %dma_start3A_88 = arith.constant 0 : i32
    %dma_start3A_89 = arith.constant 0 : i32
    %dma_start3A_90 = tpu.memref_slice %arg6[%dma_start3A_74, %dma_start3A_88, %dma_start3A_89] : memref<2x16x3584xf32, #tpu.memory_space<vmem>> -> memref<1x16x3584xf32, #tpu.memory_space<vmem>>
    %dma_start3A_91 = tpu.memref_squeeze %dma_start3A_90 : memref<1x16x3584xf32, #tpu.memory_space<vmem>> -> memref<16x3584xf32, #tpu.memory_space<vmem>>
    tpu.enqueue_dma source(%dma_start3A_91 : memref<16x3584xf32, #tpu.memory_space<vmem>>) target(%dma_start3A_87 : memref<16x3584xf32, #tpu.memory_space<hbm>>) target_semaphore(%dma_start3A_84 : memref<!tpu.dma_semaphore, #tpu.memory_space<semaphore_mem>>)
    %scan3A = arith.constant 0 : i32
    %scan3A_92 = arith.constant 3 : i32
    %scan3A_93 = arith.addi %scan3A, %scan3A_92 : i32
    %scan3A_94 = arith.constant 1 : i32
    scf.for %scan3A_170 = %scan3A to %scan3A_93 step %scan3A_94  : i32 {
      %mul3A_171 = arith.constant 1 : i32
      %mul3A_172 = arith.muli %scan3A_170, %mul3A_171 : i32
      %add3A_173 = arith.constant 0 : i32
      %add3A_174 = arith.addi %add3A_173, %mul3A_172 : i32
      %mul3A_175 = arith.constant 2 : i32
      %mul3A_176 = arith.muli %mul3A_175, %add3A_174 : i32
      %add3A_177 = arith.constant 1 : i32
      %add3A_178 = arith.addi %mul3A_176, %add3A_177 : i32
      %sub3A_179 = arith.constant 1 : i32
      %sub3A_180 = arith.subi %add3A_178, %sub3A_179 : i32
      %mul3A_181 = arith.constant 16 : i32
      %mul3A_182 = arith.muli %sub3A_180, %mul3A_181 : i32
      %add3A_183 = arith.addi %mul3A_32, %mul3A_182 : i32
      %dma_wait3A_184 = arith.constant 0 : i32
      %dma_wait3A_185 = arith.constant 0 : i32
      %dma_wait3A_186 = arith.constant 0 : i32
      %dma_wait3A_187 = arith.constant 0 : i32
      %dma_wait3A_188 = tpu.memref_slice %arg6[%dma_wait3A_184, %dma_wait3A_186, %dma_wait3A_187] : memref<2x16x3584xf32, #tpu.memory_space<vmem>> -> memref<1x16x3584xf32, #tpu.memory_space<vmem>>
      %dma_wait3A_189 = tpu.memref_squeeze %dma_wait3A_188 : memref<1x16x3584xf32, #tpu.memory_space<vmem>> -> memref<16x3584xf32, #tpu.memory_space<vmem>>
      %dma_wait3A_190 = arith.constant 0 : i32
      %dma_wait3A_191 = tpu.memref_slice %arg4[%select_n3A, %add3A_183, %dma_wait3A_190] : memref<2x2048x3584xf32, #tpu.memory_space<hbm>> -> memref<1x16x3584xf32, #tpu.memory_space<hbm>>
      %dma_wait3A_192 = tpu.memref_squeeze %dma_wait3A_191 : memref<1x16x3584xf32, #tpu.memory_space<hbm>> -> memref<16x3584xf32, #tpu.memory_space<hbm>>
      %dma_wait3A_193 = tpu.memref_slice %arg8[%dma_wait3A_185] : memref<2x!tpu.dma_semaphore, #tpu.memory_space<semaphore_mem>> -> memref<1x!tpu.dma_semaphore, #tpu.memory_space<semaphore_mem>>
      %dma_wait3A_194 = tpu.memref_squeeze %dma_wait3A_193 : memref<1x!tpu.dma_semaphore, #tpu.memory_space<semaphore_mem>> -> memref<!tpu.dma_semaphore, #tpu.memory_space<semaphore_mem>>
      %dma_wait3A_195 = arith.constant 0 : i32
      %dma_wait3A_196 = tpu.memref_slice %arg4[%select_n3A, %add3A_183, %dma_wait3A_195] : memref<2x2048x3584xf32, #tpu.memory_space<hbm>> -> memref<1x16x3584xf32, #tpu.memory_space<hbm>>
      %dma_wait3A_197 = tpu.memref_squeeze %dma_wait3A_196 : memref<1x16x3584xf32, #tpu.memory_space<hbm>> -> memref<16x3584xf32, #tpu.memory_space<hbm>>
      %dma_wait3A_198 = arith.constant 0 : i32
      %dma_wait3A_199 = arith.constant 0 : i32
      %dma_wait3A_200 = tpu.memref_slice %arg6[%dma_wait3A_184, %dma_wait3A_198, %dma_wait3A_199] : memref<2x16x3584xf32, #tpu.memory_space<vmem>> -> memref<1x16x3584xf32, #tpu.memory_space<vmem>>
      %dma_wait3A_201 = tpu.memref_squeeze %dma_wait3A_200 : memref<1x16x3584xf32, #tpu.memory_space<vmem>> -> memref<16x3584xf32, #tpu.memory_space<vmem>>
      tpu.wait_dma2 semaphore(%dma_wait3A_194 : memref<!tpu.dma_semaphore, #tpu.memory_space<semaphore_mem>>) src(%dma_wait3A_201 : memref<16x3584xf32, #tpu.memory_space<vmem>>) dst(%dma_wait3A_197 : memref<16x3584xf32, #tpu.memory_space<hbm>>)
      %add3A_202 = arith.constant 1 : i32
      %add3A_203 = arith.addi %add3A_178, %add3A_202 : i32
      %mul3A_204 = arith.constant 16 : i32
      %mul3A_205 = arith.muli %add3A_203, %mul3A_204 : i32
      %multiple_of3A_206 = tpu.assume_multiple %mul3A_205, 8 : i32
      %dma_start3A_207 = arith.constant 0 : i32
      %dma_start3A_208 = arith.constant 0 : i32
      %dma_start3A_209 = arith.constant 0 : i32
      %dma_start3A_210 = arith.constant 0 : i32
      %dma_start3A_211 = tpu.memref_slice %arg6[%dma_start3A_207, %dma_start3A_209, %dma_start3A_210] : memref<2x16x3584xf32, #tpu.memory_space<vmem>> -> memref<1x16x3584xf32, #tpu.memory_space<vmem>>
      %dma_start3A_212 = tpu.memref_squeeze %dma_start3A_211 : memref<1x16x3584xf32, #tpu.memory_space<vmem>> -> memref<16x3584xf32, #tpu.memory_space<vmem>>
      %dma_start3A_213 = tpu.memref_slice %arg5[%multiple_of3A_206] : memref<128xi32, #tpu.memory_space<vmem>> -> memref<16xi32, #tpu.memory_space<vmem>>
      %dma_start3A_214 = arith.constant 0 : i32
      %dma_start3A_215 = arith.constant 0 : i32
      %dma_start3A_216 = tpu.memref_slice %arg3[%dma_start3A_214, %dma_start3A_215] : memref<152064x3584xf32, #tpu.memory_space<hbm>> -> memref<152064x3584xf32, #tpu.memory_space<hbm>>
      %dma_start3A_217 = tpu.memref_slice %arg7[%dma_start3A_208] : memref<2x!tpu.dma_semaphore, #tpu.memory_space<semaphore_mem>> -> memref<1x!tpu.dma_semaphore, #tpu.memory_space<semaphore_mem>>
      %dma_start3A_218 = tpu.memref_squeeze %dma_start3A_217 : memref<1x!tpu.dma_semaphore, #tpu.memory_space<semaphore_mem>> -> memref<!tpu.dma_semaphore, #tpu.memory_space<semaphore_mem>>
      tpu.enqueue_indirect_dma source(%dma_start3A_216 : memref<152064x3584xf32, #tpu.memory_space<hbm>>) target(%dma_start3A_212 : memref<16x3584xf32, #tpu.memory_space<vmem>>) offsets(%dma_start3A_213 : memref<16xi32, #tpu.memory_space<vmem>>) semaphore(%dma_start3A_218 : memref<!tpu.dma_semaphore, #tpu.memory_space<semaphore_mem>>)
      %mul3A_219 = arith.constant 16 : i32
      %mul3A_220 = arith.muli %add3A_178, %mul3A_219 : i32
      %multiple_of3A_221 = tpu.assume_multiple %mul3A_220, 8 : i32
      %dma_wait3A_222 = arith.constant 1 : i32
      %dma_wait3A_223 = arith.constant 1 : i32
      %dma_wait3A_224 = arith.constant 0 : i32
      %dma_wait3A_225 = arith.constant 0 : i32
      %dma_wait3A_226 = tpu.memref_slice %arg6[%dma_wait3A_222, %dma_wait3A_224, %dma_wait3A_225] : memref<2x16x3584xf32, #tpu.memory_space<vmem>> -> memref<1x16x3584xf32, #tpu.memory_space<vmem>>
      %dma_wait3A_227 = tpu.memref_squeeze %dma_wait3A_226 : memref<1x16x3584xf32, #tpu.memory_space<vmem>> -> memref<16x3584xf32, #tpu.memory_space<vmem>>
      %dma_wait3A_228 = tpu.memref_slice %arg5[%multiple_of3A_221] : memref<128xi32, #tpu.memory_space<vmem>> -> memref<16xi32, #tpu.memory_space<vmem>>
      %dma_wait3A_229 = arith.constant 0 : i32
      %dma_wait3A_230 = arith.constant 0 : i32
      %dma_wait3A_231 = tpu.memref_slice %arg3[%dma_wait3A_229, %dma_wait3A_230] : memref<152064x3584xf32, #tpu.memory_space<hbm>> -> memref<152064x3584xf32, #tpu.memory_space<hbm>>
      %dma_wait3A_232 = tpu.memref_slice %arg7[%dma_wait3A_223] : memref<2x!tpu.dma_semaphore, #tpu.memory_space<semaphore_mem>> -> memref<1x!tpu.dma_semaphore, #tpu.memory_space<semaphore_mem>>
      %dma_wait3A_233 = tpu.memref_squeeze %dma_wait3A_232 : memref<1x!tpu.dma_semaphore, #tpu.memory_space<semaphore_mem>> -> memref<!tpu.dma_semaphore, #tpu.memory_space<semaphore_mem>>
      tpu.wait_indirect_dma semaphore(%dma_wait3A_233 : memref<!tpu.dma_semaphore, #tpu.memory_space<semaphore_mem>>) src(%dma_wait3A_231 : memref<152064x3584xf32, #tpu.memory_space<hbm>>) dst(%dma_wait3A_227 : memref<16x3584xf32, #tpu.memory_space<vmem>>)
      %mul3A_234 = arith.constant 16 : i32
      %mul3A_235 = arith.muli %add3A_178, %mul3A_234 : i32
      %add3A_236 = arith.addi %mul3A_32, %mul3A_235 : i32
      %dma_start3A_237 = arith.constant 1 : i32
      %dma_start3A_238 = arith.constant 1 : i32
      %dma_start3A_239 = arith.constant 0 : i32
      %dma_start3A_240 = arith.constant 0 : i32
      %dma_start3A_241 = tpu.memref_slice %arg6[%dma_start3A_237, %dma_start3A_239, %dma_start3A_240] : memref<2x16x3584xf32, #tpu.memory_space<vmem>> -> memref<1x16x3584xf32, #tpu.memory_space<vmem>>
      %dma_start3A_242 = tpu.memref_squeeze %dma_start3A_241 : memref<1x16x3584xf32, #tpu.memory_space<vmem>> -> memref<16x3584xf32, #tpu.memory_space<vmem>>
      %dma_start3A_243 = arith.constant 0 : i32
      %dma_start3A_244 = tpu.memref_slice %arg4[%select_n3A, %add3A_236, %dma_start3A_243] : memref<2x2048x3584xf32, #tpu.memory_space<hbm>> -> memref<1x16x3584xf32, #tpu.memory_space<hbm>>
      %dma_start3A_245 = tpu.memref_squeeze %dma_start3A_244 : memref<1x16x3584xf32, #tpu.memory_space<hbm>> -> memref<16x3584xf32, #tpu.memory_space<hbm>>
      %dma_start3A_246 = tpu.memref_slice %arg8[%dma_start3A_238] : memref<2x!tpu.dma_semaphore, #tpu.memory_space<semaphore_mem>> -> memref<1x!tpu.dma_semaphore, #tpu.memory_space<semaphore_mem>>
      %dma_start3A_247 = tpu.memref_squeeze %dma_start3A_246 : memref<1x!tpu.dma_semaphore, #tpu.memory_space<semaphore_mem>> -> memref<!tpu.dma_semaphore, #tpu.memory_space<semaphore_mem>>
      %dma_start3A_248 = arith.constant 0 : i32
      %dma_start3A_249 = tpu.memref_slice %arg4[%select_n3A, %add3A_236, %dma_start3A_248] : memref<2x2048x3584xf32, #tpu.memory_space<hbm>> -> memref<1x16x3584xf32, #tpu.memory_space<hbm>>
      %dma_start3A_250 = tpu.memref_squeeze %dma_start3A_249 : memref<1x16x3584xf32, #tpu.memory_space<hbm>> -> memref<16x3584xf32, #tpu.memory_space<hbm>>
      %dma_start3A_251 = arith.constant 0 : i32
      %dma_start3A_252 = arith.constant 0 : i32
      %dma_start3A_253 = tpu.memref_slice %arg6[%dma_start3A_237, %dma_start3A_251, %dma_start3A_252] : memref<2x16x3584xf32, #tpu.memory_space<vmem>> -> memref<1x16x3584xf32, #tpu.memory_space<vmem>>
      %dma_start3A_254 = tpu.memref_squeeze %dma_start3A_253 : memref<1x16x3584xf32, #tpu.memory_space<vmem>> -> memref<16x3584xf32, #tpu.memory_space<vmem>>
      tpu.enqueue_dma source(%dma_start3A_254 : memref<16x3584xf32, #tpu.memory_space<vmem>>) target(%dma_start3A_250 : memref<16x3584xf32, #tpu.memory_space<hbm>>) target_semaphore(%dma_start3A_247 : memref<!tpu.dma_semaphore, #tpu.memory_space<semaphore_mem>>)
      %mul3A_255 = arith.constant 2 : i32
      %mul3A_256 = arith.muli %mul3A_255, %add3A_174 : i32
      %add3A_257 = arith.constant 2 : i32
      %add3A_258 = arith.addi %mul3A_256, %add3A_257 : i32
      %sub3A_259 = arith.constant 1 : i32
      %sub3A_260 = arith.subi %add3A_258, %sub3A_259 : i32
      %mul3A_261 = arith.constant 16 : i32
      %mul3A_262 = arith.muli %sub3A_260, %mul3A_261 : i32
      %add3A_263 = arith.addi %mul3A_32, %mul3A_262 : i32
      %dma_wait3A_264 = arith.constant 1 : i32
      %dma_wait3A_265 = arith.constant 1 : i32
      %dma_wait3A_266 = arith.constant 0 : i32
      %dma_wait3A_267 = arith.constant 0 : i32
      %dma_wait3A_268 = tpu.memref_slice %arg6[%dma_wait3A_264, %dma_wait3A_266, %dma_wait3A_267] : memref<2x16x3584xf32, #tpu.memory_space<vmem>> -> memref<1x16x3584xf32, #tpu.memory_space<vmem>>
      %dma_wait3A_269 = tpu.memref_squeeze %dma_wait3A_268 : memref<1x16x3584xf32, #tpu.memory_space<vmem>> -> memref<16x3584xf32, #tpu.memory_space<vmem>>
      %dma_wait3A_270 = arith.constant 0 : i32
      %dma_wait3A_271 = tpu.memref_slice %arg4[%select_n3A, %add3A_263, %dma_wait3A_270] : memref<2x2048x3584xf32, #tpu.memory_space<hbm>> -> memref<1x16x3584xf32, #tpu.memory_space<hbm>>
      %dma_wait3A_272 = tpu.memref_squeeze %dma_wait3A_271 : memref<1x16x3584xf32, #tpu.memory_space<hbm>> -> memref<16x3584xf32, #tpu.memory_space<hbm>>
      %dma_wait3A_273 = tpu.memref_slice %arg8[%dma_wait3A_265] : memref<2x!tpu.dma_semaphore, #tpu.memory_space<semaphore_mem>> -> memref<1x!tpu.dma_semaphore, #tpu.memory_space<semaphore_mem>>
      %dma_wait3A_274 = tpu.memref_squeeze %dma_wait3A_273 : memref<1x!tpu.dma_semaphore, #tpu.memory_space<semaphore_mem>> -> memref<!tpu.dma_semaphore, #tpu.memory_space<semaphore_mem>>
      %dma_wait3A_275 = arith.constant 0 : i32
      %dma_wait3A_276 = tpu.memref_slice %arg4[%select_n3A, %add3A_263, %dma_wait3A_275] : memref<2x2048x3584xf32, #tpu.memory_space<hbm>> -> memref<1x16x3584xf32, #tpu.memory_space<hbm>>
      %dma_wait3A_277 = tpu.memref_squeeze %dma_wait3A_276 : memref<1x16x3584xf32, #tpu.memory_space<hbm>> -> memref<16x3584xf32, #tpu.memory_space<hbm>>
      %dma_wait3A_278 = arith.constant 0 : i32
      %dma_wait3A_279 = arith.constant 0 : i32
      %dma_wait3A_280 = tpu.memref_slice %arg6[%dma_wait3A_264, %dma_wait3A_278, %dma_wait3A_279] : memref<2x16x3584xf32, #tpu.memory_space<vmem>> -> memref<1x16x3584xf32, #tpu.memory_space<vmem>>
      %dma_wait3A_281 = tpu.memref_squeeze %dma_wait3A_280 : memref<1x16x3584xf32, #tpu.memory_space<vmem>> -> memref<16x3584xf32, #tpu.memory_space<vmem>>
      tpu.wait_dma2 semaphore(%dma_wait3A_274 : memref<!tpu.dma_semaphore, #tpu.memory_space<semaphore_mem>>) src(%dma_wait3A_281 : memref<16x3584xf32, #tpu.memory_space<vmem>>) dst(%dma_wait3A_277 : memref<16x3584xf32, #tpu.memory_space<hbm>>)
      %add3A_282 = arith.constant 1 : i32
      %add3A_283 = arith.addi %add3A_258, %add3A_282 : i32
      %mul3A_284 = arith.constant 16 : i32
      %mul3A_285 = arith.muli %add3A_283, %mul3A_284 : i32
      %multiple_of3A_286 = tpu.assume_multiple %mul3A_285, 8 : i32
      %dma_start3A_287 = arith.constant 1 : i32
      %dma_start3A_288 = arith.constant 1 : i32
      %dma_start3A_289 = arith.constant 0 : i32
      %dma_start3A_290 = arith.constant 0 : i32
      %dma_start3A_291 = tpu.memref_slice %arg6[%dma_start3A_287, %dma_start3A_289, %dma_start3A_290] : memref<2x16x3584xf32, #tpu.memory_space<vmem>> -> memref<1x16x3584xf32, #tpu.memory_space<vmem>>
      %dma_start3A_292 = tpu.memref_squeeze %dma_start3A_291 : memref<1x16x3584xf32, #tpu.memory_space<vmem>> -> memref<16x3584xf32, #tpu.memory_space<vmem>>
      %dma_start3A_293 = tpu.memref_slice %arg5[%multiple_of3A_286] : memref<128xi32, #tpu.memory_space<vmem>> -> memref<16xi32, #tpu.memory_space<vmem>>
      %dma_start3A_294 = arith.constant 0 : i32
      %dma_start3A_295 = arith.constant 0 : i32
      %dma_start3A_296 = tpu.memref_slice %arg3[%dma_start3A_294, %dma_start3A_295] : memref<152064x3584xf32, #tpu.memory_space<hbm>> -> memref<152064x3584xf32, #tpu.memory_space<hbm>>
      %dma_start3A_297 = tpu.memref_slice %arg7[%dma_start3A_288] : memref<2x!tpu.dma_semaphore, #tpu.memory_space<semaphore_mem>> -> memref<1x!tpu.dma_semaphore, #tpu.memory_space<semaphore_mem>>
      %dma_start3A_298 = tpu.memref_squeeze %dma_start3A_297 : memref<1x!tpu.dma_semaphore, #tpu.memory_space<semaphore_mem>> -> memref<!tpu.dma_semaphore, #tpu.memory_space<semaphore_mem>>
      tpu.enqueue_indirect_dma source(%dma_start3A_296 : memref<152064x3584xf32, #tpu.memory_space<hbm>>) target(%dma_start3A_292 : memref<16x3584xf32, #tpu.memory_space<vmem>>) offsets(%dma_start3A_293 : memref<16xi32, #tpu.memory_space<vmem>>) semaphore(%dma_start3A_298 : memref<!tpu.dma_semaphore, #tpu.memory_space<semaphore_mem>>)
      %mul3A_299 = arith.constant 16 : i32
      %mul3A_300 = arith.muli %add3A_258, %mul3A_299 : i32
      %multiple_of3A_301 = tpu.assume_multiple %mul3A_300, 8 : i32
      %dma_wait3A_302 = arith.constant 0 : i32
      %dma_wait3A_303 = arith.constant 0 : i32
      %dma_wait3A_304 = arith.constant 0 : i32
      %dma_wait3A_305 = arith.constant 0 : i32
      %dma_wait3A_306 = tpu.memref_slice %arg6[%dma_wait3A_302, %dma_wait3A_304, %dma_wait3A_305] : memref<2x16x3584xf32, #tpu.memory_space<vmem>> -> memref<1x16x3584xf32, #tpu.memory_space<vmem>>
      %dma_wait3A_307 = tpu.memref_squeeze %dma_wait3A_306 : memref<1x16x3584xf32, #tpu.memory_space<vmem>> -> memref<16x3584xf32, #tpu.memory_space<vmem>>
      %dma_wait3A_308 = tpu.memref_slice %arg5[%multiple_of3A_301] : memref<128xi32, #tpu.memory_space<vmem>> -> memref<16xi32, #tpu.memory_space<vmem>>
      %dma_wait3A_309 = arith.constant 0 : i32
      %dma_wait3A_310 = arith.constant 0 : i32
      %dma_wait3A_311 = tpu.memref_slice %arg3[%dma_wait3A_309, %dma_wait3A_310] : memref<152064x3584xf32, #tpu.memory_space<hbm>> -> memref<152064x3584xf32, #tpu.memory_space<hbm>>
      %dma_wait3A_312 = tpu.memref_slice %arg7[%dma_wait3A_303] : memref<2x!tpu.dma_semaphore, #tpu.memory_space<semaphore_mem>> -> memref<1x!tpu.dma_semaphore, #tpu.memory_space<semaphore_mem>>
      %dma_wait3A_313 = tpu.memref_squeeze %dma_wait3A_312 : memref<1x!tpu.dma_semaphore, #tpu.memory_space<semaphore_mem>> -> memref<!tpu.dma_semaphore, #tpu.memory_space<semaphore_mem>>
      tpu.wait_indirect_dma semaphore(%dma_wait3A_313 : memref<!tpu.dma_semaphore, #tpu.memory_space<semaphore_mem>>) src(%dma_wait3A_311 : memref<152064x3584xf32, #tpu.memory_space<hbm>>) dst(%dma_wait3A_307 : memref<16x3584xf32, #tpu.memory_space<vmem>>)
      %mul3A_314 = arith.constant 16 : i32
      %mul3A_315 = arith.muli %add3A_258, %mul3A_314 : i32
      %add3A_316 = arith.addi %mul3A_32, %mul3A_315 : i32
      %dma_start3A_317 = arith.constant 0 : i32
      %dma_start3A_318 = arith.constant 0 : i32
      %dma_start3A_319 = arith.constant 0 : i32
      %dma_start3A_320 = arith.constant 0 : i32
      %dma_start3A_321 = tpu.memref_slice %arg6[%dma_start3A_317, %dma_start3A_319, %dma_start3A_320] : memref<2x16x3584xf32, #tpu.memory_space<vmem>> -> memref<1x16x3584xf32, #tpu.memory_space<vmem>>
      %dma_start3A_322 = tpu.memref_squeeze %dma_start3A_321 : memref<1x16x3584xf32, #tpu.memory_space<vmem>> -> memref<16x3584xf32, #tpu.memory_space<vmem>>
      %dma_start3A_323 = arith.constant 0 : i32
      %dma_start3A_324 = tpu.memref_slice %arg4[%select_n3A, %add3A_316, %dma_start3A_323] : memref<2x2048x3584xf32, #tpu.memory_space<hbm>> -> memref<1x16x3584xf32, #tpu.memory_space<hbm>>
      %dma_start3A_325 = tpu.memref_squeeze %dma_start3A_324 : memref<1x16x3584xf32, #tpu.memory_space<hbm>> -> memref<16x3584xf32, #tpu.memory_space<hbm>>
      %dma_start3A_326 = tpu.memref_slice %arg8[%dma_start3A_318] : memref<2x!tpu.dma_semaphore, #tpu.memory_space<semaphore_mem>> -> memref<1x!tpu.dma_semaphore, #tpu.memory_space<semaphore_mem>>
      %dma_start3A_327 = tpu.memref_squeeze %dma_start3A_326 : memref<1x!tpu.dma_semaphore, #tpu.memory_space<semaphore_mem>> -> memref<!tpu.dma_semaphore, #tpu.memory_space<semaphore_mem>>
      %dma_start3A_328 = arith.constant 0 : i32
      %dma_start3A_329 = tpu.memref_slice %arg4[%select_n3A, %add3A_316, %dma_start3A_328] : memref<2x2048x3584xf32, #tpu.memory_space<hbm>> -> memref<1x16x3584xf32, #tpu.memory_space<hbm>>
      %dma_start3A_330 = tpu.memref_squeeze %dma_start3A_329 : memref<1x16x3584xf32, #tpu.memory_space<hbm>> -> memref<16x3584xf32, #tpu.memory_space<hbm>>
      %dma_start3A_331 = arith.constant 0 : i32
      %dma_start3A_332 = arith.constant 0 : i32
      %dma_start3A_333 = tpu.memref_slice %arg6[%dma_start3A_317, %dma_start3A_331, %dma_start3A_332] : memref<2x16x3584xf32, #tpu.memory_space<vmem>> -> memref<1x16x3584xf32, #tpu.memory_space<vmem>>
      %dma_start3A_334 = tpu.memref_squeeze %dma_start3A_333 : memref<1x16x3584xf32, #tpu.memory_space<vmem>> -> memref<16x3584xf32, #tpu.memory_space<vmem>>
      tpu.enqueue_dma source(%dma_start3A_334 : memref<16x3584xf32, #tpu.memory_space<vmem>>) target(%dma_start3A_330 : memref<16x3584xf32, #tpu.memory_space<hbm>>) target_semaphore(%dma_start3A_327 : memref<!tpu.dma_semaphore, #tpu.memory_space<semaphore_mem>>)
    }
    %scan3A_95 = arith.constant 3 : i32
    %multiple_of3A_96 = arith.constant 112 : i32
    %multiple_of3A_97 = tpu.assume_multiple %multiple_of3A_96, 8 : i32
    %dma_wait3A_98 = arith.constant 1 : i32
    %dma_wait3A_99 = arith.constant 1 : i32
    %dma_wait3A_100 = arith.constant 0 : i32
    %dma_wait3A_101 = arith.constant 0 : i32
    %dma_wait3A_102 = tpu.memref_slice %arg6[%dma_wait3A_98, %dma_wait3A_100, %dma_wait3A_101] : memref<2x16x3584xf32, #tpu.memory_space<vmem>> -> memref<1x16x3584xf32, #tpu.memory_space<vmem>>
    %dma_wait3A_103 = tpu.memref_squeeze %dma_wait3A_102 : memref<1x16x3584xf32, #tpu.memory_space<vmem>> -> memref<16x3584xf32, #tpu.memory_space<vmem>>
    %dma_wait3A_104 = tpu.memref_slice %arg5[%multiple_of3A_97] : memref<128xi32, #tpu.memory_space<vmem>> -> memref<16xi32, #tpu.memory_space<vmem>>
    %dma_wait3A_105 = arith.constant 0 : i32
    %dma_wait3A_106 = arith.constant 0 : i32
    %dma_wait3A_107 = tpu.memref_slice %arg3[%dma_wait3A_105, %dma_wait3A_106] : memref<152064x3584xf32, #tpu.memory_space<hbm>> -> memref<152064x3584xf32, #tpu.memory_space<hbm>>
    %dma_wait3A_108 = tpu.memref_slice %arg7[%dma_wait3A_99] : memref<2x!tpu.dma_semaphore, #tpu.memory_space<semaphore_mem>> -> memref<1x!tpu.dma_semaphore, #tpu.memory_space<semaphore_mem>>
    %dma_wait3A_109 = tpu.memref_squeeze %dma_wait3A_108 : memref<1x!tpu.dma_semaphore, #tpu.memory_space<semaphore_mem>> -> memref<!tpu.dma_semaphore, #tpu.memory_space<semaphore_mem>>
    tpu.wait_indirect_dma semaphore(%dma_wait3A_109 : memref<!tpu.dma_semaphore, #tpu.memory_space<semaphore_mem>>) src(%dma_wait3A_107 : memref<152064x3584xf32, #tpu.memory_space<hbm>>) dst(%dma_wait3A_103 : memref<16x3584xf32, #tpu.memory_space<vmem>>)
    %add3A_110 = arith.constant 112 : i32
    %add3A_111 = arith.addi %mul3A_32, %add3A_110 : i32
    %dma_start3A_112 = arith.constant 1 : i32
    %dma_start3A_113 = arith.constant 1 : i32
    %dma_start3A_114 = arith.constant 0 : i32
    %dma_start3A_115 = arith.constant 0 : i32
    %dma_start3A_116 = tpu.memref_slice %arg6[%dma_start3A_112, %dma_start3A_114, %dma_start3A_115] : memref<2x16x3584xf32, #tpu.memory_space<vmem>> -> memref<1x16x3584xf32, #tpu.memory_space<vmem>>
    %dma_start3A_117 = tpu.memref_squeeze %dma_start3A_116 : memref<1x16x3584xf32, #tpu.memory_space<vmem>> -> memref<16x3584xf32, #tpu.memory_space<vmem>>
    %dma_start3A_118 = arith.constant 0 : i32
    %dma_start3A_119 = tpu.memref_slice %arg4[%select_n3A, %add3A_111, %dma_start3A_118] : memref<2x2048x3584xf32, #tpu.memory_space<hbm>> -> memref<1x16x3584xf32, #tpu.memory_space<hbm>>
    %dma_start3A_120 = tpu.memref_squeeze %dma_start3A_119 : memref<1x16x3584xf32, #tpu.memory_space<hbm>> -> memref<16x3584xf32, #tpu.memory_space<hbm>>
    %dma_start3A_121 = tpu.memref_slice %arg8[%dma_start3A_113] : memref<2x!tpu.dma_semaphore, #tpu.memory_space<semaphore_mem>> -> memref<1x!tpu.dma_semaphore, #tpu.memory_space<semaphore_mem>>
    %dma_start3A_122 = tpu.memref_squeeze %dma_start3A_121 : memref<1x!tpu.dma_semaphore, #tpu.memory_space<semaphore_mem>> -> memref<!tpu.dma_semaphore, #tpu.memory_space<semaphore_mem>>
    %dma_start3A_123 = arith.constant 0 : i32
    %dma_start3A_124 = tpu.memref_slice %arg4[%select_n3A, %add3A_111, %dma_start3A_123] : memref<2x2048x3584xf32, #tpu.memory_space<hbm>> -> memref<1x16x3584xf32, #tpu.memory_space<hbm>>
    %dma_start3A_125 = tpu.memref_squeeze %dma_start3A_124 : memref<1x16x3584xf32, #tpu.memory_space<hbm>> -> memref<16x3584xf32, #tpu.memory_space<hbm>>
    %dma_start3A_126 = arith.constant 0 : i32
    %dma_start3A_127 = arith.constant 0 : i32
    %dma_start3A_128 = tpu.memref_slice %arg6[%dma_start3A_112, %dma_start3A_126, %dma_start3A_127] : memref<2x16x3584xf32, #tpu.memory_space<vmem>> -> memref<1x16x3584xf32, #tpu.memory_space<vmem>>
    %dma_start3A_129 = tpu.memref_squeeze %dma_start3A_128 : memref<1x16x3584xf32, #tpu.memory_space<vmem>> -> memref<16x3584xf32, #tpu.memory_space<vmem>>
    tpu.enqueue_dma source(%dma_start3A_129 : memref<16x3584xf32, #tpu.memory_space<vmem>>) target(%dma_start3A_125 : memref<16x3584xf32, #tpu.memory_space<hbm>>) target_semaphore(%dma_start3A_122 : memref<!tpu.dma_semaphore, #tpu.memory_space<semaphore_mem>>)
    %add3A_130 = arith.constant 96 : i32
    %add3A_131 = arith.addi %mul3A_32, %add3A_130 : i32
    %dma_wait3A_132 = arith.constant 0 : i32
    %dma_wait3A_133 = arith.constant 0 : i32
    %dma_wait3A_134 = arith.constant 0 : i32
    %dma_wait3A_135 = arith.constant 0 : i32
    %dma_wait3A_136 = tpu.memref_slice %arg6[%dma_wait3A_132, %dma_wait3A_134, %dma_wait3A_135] : memref<2x16x3584xf32, #tpu.memory_space<vmem>> -> memref<1x16x3584xf32, #tpu.memory_space<vmem>>
    %dma_wait3A_137 = tpu.memref_squeeze %dma_wait3A_136 : memref<1x16x3584xf32, #tpu.memory_space<vmem>> -> memref<16x3584xf32, #tpu.memory_space<vmem>>
    %dma_wait3A_138 = arith.constant 0 : i32
    %dma_wait3A_139 = tpu.memref_slice %arg4[%select_n3A, %add3A_131, %dma_wait3A_138] : memref<2x2048x3584xf32, #tpu.memory_space<hbm>> -> memref<1x16x3584xf32, #tpu.memory_space<hbm>>
    %dma_wait3A_140 = tpu.memref_squeeze %dma_wait3A_139 : memref<1x16x3584xf32, #tpu.memory_space<hbm>> -> memref<16x3584xf32, #tpu.memory_space<hbm>>
    %dma_wait3A_141 = tpu.memref_slice %arg8[%dma_wait3A_133] : memref<2x!tpu.dma_semaphore, #tpu.memory_space<semaphore_mem>> -> memref<1x!tpu.dma_semaphore, #tpu.memory_space<semaphore_mem>>
    %dma_wait3A_142 = tpu.memref_squeeze %dma_wait3A_141 : memref<1x!tpu.dma_semaphore, #tpu.memory_space<semaphore_mem>> -> memref<!tpu.dma_semaphore, #tpu.memory_space<semaphore_mem>>
    %dma_wait3A_143 = arith.constant 0 : i32
    %dma_wait3A_144 = tpu.memref_slice %arg4[%select_n3A, %add3A_131, %dma_wait3A_143] : memref<2x2048x3584xf32, #tpu.memory_space<hbm>> -> memref<1x16x3584xf32, #tpu.memory_space<hbm>>
    %dma_wait3A_145 = tpu.memref_squeeze %dma_wait3A_144 : memref<1x16x3584xf32, #tpu.memory_space<hbm>> -> memref<16x3584xf32, #tpu.memory_space<hbm>>
    %dma_wait3A_146 = arith.constant 0 : i32
    %dma_wait3A_147 = arith.constant 0 : i32
    %dma_wait3A_148 = tpu.memref_slice %arg6[%dma_wait3A_132, %dma_wait3A_146, %dma_wait3A_147] : memref<2x16x3584xf32, #tpu.memory_space<vmem>> -> memref<1x16x3584xf32, #tpu.memory_space<vmem>>
    %dma_wait3A_149 = tpu.memref_squeeze %dma_wait3A_148 : memref<1x16x3584xf32, #tpu.memory_space<vmem>> -> memref<16x3584xf32, #tpu.memory_space<vmem>>
    tpu.wait_dma2 semaphore(%dma_wait3A_142 : memref<!tpu.dma_semaphore, #tpu.memory_space<semaphore_mem>>) src(%dma_wait3A_149 : memref<16x3584xf32, #tpu.memory_space<vmem>>) dst(%dma_wait3A_145 : memref<16x3584xf32, #tpu.memory_space<hbm>>)
    %add3A_150 = arith.constant 112 : i32
    %add3A_151 = arith.addi %mul3A_32, %add3A_150 : i32
    %dma_wait3A_152 = arith.constant 1 : i32
    %dma_wait3A_153 = arith.constant 1 : i32
    %dma_wait3A_154 = arith.constant 0 : i32
    %dma_wait3A_155 = arith.constant 0 : i32
    %dma_wait3A_156 = tpu.memref_slice %arg6[%dma_wait3A_152, %dma_wait3A_154, %dma_wait3A_155] : memref<2x16x3584xf32, #tpu.memory_space<vmem>> -> memref<1x16x3584xf32, #tpu.memory_space<vmem>>
    %dma_wait3A_157 = tpu.memref_squeeze %dma_wait3A_156 : memref<1x16x3584xf32, #tpu.memory_space<vmem>> -> memref<16x3584xf32, #tpu.memory_space<vmem>>
    %dma_wait3A_158 = arith.constant 0 : i32
    %dma_wait3A_159 = tpu.memref_slice %arg4[%select_n3A, %add3A_151, %dma_wait3A_158] : memref<2x2048x3584xf32, #tpu.memory_space<hbm>> -> memref<1x16x3584xf32, #tpu.memory_space<hbm>>
    %dma_wait3A_160 = tpu.memref_squeeze %dma_wait3A_159 : memref<1x16x3584xf32, #tpu.memory_space<hbm>> -> memref<16x3584xf32, #tpu.memory_space<hbm>>
    %dma_wait3A_161 = tpu.memref_slice %arg8[%dma_wait3A_153] : memref<2x!tpu.dma_semaphore, #tpu.memory_space<semaphore_mem>> -> memref<1x!tpu.dma_semaphore, #tpu.memory_space<semaphore_mem>>
    %dma_wait3A_162 = tpu.memref_squeeze %dma_wait3A_161 : memref<1x!tpu.dma_semaphore, #tpu.memory_space<semaphore_mem>> -> memref<!tpu.dma_semaphore, #tpu.memory_space<semaphore_mem>>
    %dma_wait3A_163 = arith.constant 0 : i32
    %dma_wait3A_164 = tpu.memref_slice %arg4[%select_n3A, %add3A_151, %dma_wait3A_163] : memref<2x2048x3584xf32, #tpu.memory_space<hbm>> -> memref<1x16x3584xf32, #tpu.memory_space<hbm>>
    %dma_wait3A_165 = tpu.memref_squeeze %dma_wait3A_164 : memref<1x16x3584xf32, #tpu.memory_space<hbm>> -> memref<16x3584xf32, #tpu.memory_space<hbm>>
    %dma_wait3A_166 = arith.constant 0 : i32
    %dma_wait3A_167 = arith.constant 0 : i32
    %dma_wait3A_168 = tpu.memref_slice %arg6[%dma_wait3A_152, %dma_wait3A_166, %dma_wait3A_167] : memref<2x16x3584xf32, #tpu.memory_space<vmem>> -> memref<1x16x3584xf32, #tpu.memory_space<vmem>>
    %dma_wait3A_169 = tpu.memref_squeeze %dma_wait3A_168 : memref<1x16x3584xf32, #tpu.memory_space<vmem>> -> memref<16x3584xf32, #tpu.memory_space<vmem>>
    tpu.wait_dma2 semaphore(%dma_wait3A_162 : memref<!tpu.dma_semaphore, #tpu.memory_space<semaphore_mem>>) src(%dma_wait3A_169 : memref<16x3584xf32, #tpu.memory_space<vmem>>) dst(%dma_wait3A_165 : memref<16x3584xf32, #tpu.memory_space<hbm>>)
    return
  }
}

</mosaic_0001>

<sc_bundles>
// kernel: kernel.3.cloned.1.call-start
scs
__scs_entry_jumppad:
0x0: {  	(pc) =	sbr.rel $0x88, $3  }
0x1: {  	(tag) =	ssettag $0x0;
	lr =	simm.s32 $0x1  }
0x2: {  	[smem:$0x3F9F] =	sst lr;
	_ =	strace $0xD0000000  }
0x3: {  	_ = 	snop  }
0x4: {  	_ = 	snop  }
0x5: {  	_ = 	snop  }
0x6: {  	_ = 	snop  }
0x7: {  	_ = 	snop  }
__scs_overlays_trampoline_lowered:
0x8: {  	[smem:$0x3FAE] =	sst s0  }
0x9: {  	[smem:$0x3FAF] =	sst s1  }
0xa: {  	[smem:$0x3FB0] =	sst s2  }
0xb: {  	[smem:$0x3FB1] =	sst s3  }
0xc: {  	[smem:$0x3FB2] =	sst s4  }
0xd: {  	[smem:$0x3FB3] =	sst s5  }
0xe: {  	[smem:$0x3FB4] =	sst s6  }
0xf: {  	[smem:$0x3FB5] =	sst s7  }
0x10: {  	[smem:$0x3FB6] =	sst s8  }
0x11: {  	[smem:$0x3FB7] =	sst s9;
	s0 =	simm.s32 @!p0 $0x0  }
0x12: {  	s1 =	sld [smem:$0x3F9D];
	s0 =	simm.s32 @p0 $0x1  }
0x13: {  	[smem:$0x3FB8] =	sst s0;
	s0 =	simm.s32 @!p1 $0x0  }
0x14: {  	s2 =	sld [smem:$0x3F9C];
	s0 =	simm.s32 @p1 $0x1  }
0x15: {  	[smem:$0x3FB9] =	sst s0;
	s0 =	simm.s32 @!p2 $0x0  }
0x16: {  	s3 =	sld [smem:$0x3FDB];
	s0 =	simm.s32 @p2 $0x1  }
0x17: {  	s4 =	simm.s32 $0x1BF5;
	[smem:$0x3FBB] =	sst s0  }
0x18: {  	s0 =	sld [smem:$0x3F9E];
	_ =	swait.ge [sflag:s4], $0x0  }
0x19: {  	s7 =	sld [smem:$0x3F9F]  }
0x1a: {  	s8 =	sadd.s32 $0xFFFFE003, lr  }
0x1b: {  	s9 =	sadd.s32 $0xFFFFFEF7, lr;
	s5 =	simm.s32 $0xFFFFFFFF;
	p2 =	slt.u32 s8, $0xFFFFF086  }
0x1c: {  	p1 =	slt.u32 s9, $0xF7A;
	s5 =	simm.s32 @!p2 $0x0  }
0x1d: {  	s5 =	simm.s32 @p1 $0x1;
	p0 =	seq.s32 s7, s2  }
0x1e: {  	s7 =	smul.u32 @!p0 $0xF7A, s2;
	p2 =	seq.s32 @!p0 s5, $0x0  }
0x1f: {  	s9 =	smul.u32 $0xF7A, s1;
	s8 =	simm.s32 @!p0 $0x1BF5;
	p2 =	por !p2, p0  }
0x20: {  	[sflag:s8] =	ssyncset.s32 @!p0 $0xFFFFF086;
	s6 =	sadd.s32 @!p0 s3, s7;
	s7 =	simm.s32 @!p0 $0x108  }
0x21: {  	s3 =	sadd.s32 s3, s9;
	s6 =	sadd.s32 @!p0 $0x88, s6;
	s7 =	simm.s32 @p2 $0x1082  }
0x22: {  	[simem:s7], [sflag:s8] =	dma.local @!p0 [hbm:s6], $0xF7A  }
0x23: {  	s9 =	sor.u32 $0xD0000000, s2;
	s6 =	simm.s32 $0x108;
	_ =	swait.ge @!p0 [sflag:s8], $0x0  }
0x24: {  	s3 =	sadd.s32 $0x88, s3;
	s6 =	simm.s32 @!p1 $0x1082;
	[sflag:s4] =	ssyncset.s32 $0xFFFFF086  }
0x25: {  	[simem:s6], [sflag:s4] =	dma.local [hbm:s3], $0xF7A  }
0x26: {  	[smem:$0x3F9F] =	sst s1;
	(tag) =	ssettag s2;
	_ =	strace s9  }
0x27: {  	s1 =	sld [smem:$0x3FAF]  }
0x28: {  	s2 =	sld [smem:$0x3FB0]  }
0x29: {  	s4 =	sld [smem:$0x3FB2]  }
0x2a: {  	p0 =	seq.s32 s5, $0x0;
	s5 =	sld [smem:$0x3FB3]  }
0x2b: {  	s6 =	sld [smem:$0x3FB4]  }
0x2c: {  	s7 =	sld [smem:$0x3FB5]  }
0x2d: {  	s3 =	simm.s32 $0x108;
	s8 =	sld [smem:$0x3FB6]  }
0x2e: {  	s3 =	simm.s32 @!p0 $0x1082;
	s9 =	sld [smem:$0x3FB7]  }
0x2f: {  	lr =	sadd.s32 s0, s3;
	s0 =	sld [smem:$0x3FAE]  }
0x30: {  	s3 =	sld [smem:$0x3FB1]  }
0x31: {  	[smem:$0x3FBA] =	sst s10  }
0x32: {  	s10 =	sld [smem:$0x3FB8];
	_ =	sdelay $0x3  }
0x33: {  	p0 =	seq.s32 s10, $0x1;
	s10 =	sld [smem:$0x3FBA];
	_ =	sdelay $0x3  }
0x34: {  	[smem:$0x3FBA] =	sst s10  }
0x35: {  	s10 =	sld [smem:$0x3FB9];
	_ =	sdelay $0x3  }
0x36: {  	p1 =	seq.s32 s10, $0x1;
	s10 =	sld [smem:$0x3FBA];
	_ =	sdelay $0x3  }
0x37: {  	[smem:$0x3FBA] =	sst s10  }
0x38: {  	s10 =	sld [smem:$0x3FBB]  }
0x39: {  	_ = 	snop;
	(pc) =	sbr.ind lr, $3  }
0x3a: {  	_ = 	snop  }
0x3b: {  	_ = 	snop  }
0x3c: {  	p2 =	seq.s32 s10, $0x1;
	s10 =	sld [smem:$0x3FBA]  }
0x3d: {  	_ =	shalt  }
0x3e: {  	_ =	shalt  }
0x3f: {  	_ =	shalt  }
0x40: {  	_ =	shalt  }
0x41: {  	_ =	shalt  }
0x42: {  	_ =	shalt  }
0x43: {  	_ =	shalt  }
0x44: {  	_ =	shalt  }
0x45: {  	_ =	shalt  }
0x46: {  	_ =	shalt  }
0x47: {  	_ =	shalt  }
0x48: {  	_ =	shalt  }
0x49: {  	_ =	shalt  }
0x4a: {  	_ =	shalt  }
0x4b: {  	_ =	shalt  }
0x4c: {  	_ =	shalt  }
0x4d: {  	_ =	shalt  }
0x4e: {  	_ =	shalt  }
0x4f: {  	_ =	shalt  }
0x50: {  	_ =	shalt  }
0x51: {  	_ =	shalt  }
0x52: {  	_ =	shalt  }
0x53: {  	_ =	shalt  }
0x54: {  	_ =	shalt  }
0x55: {  	_ =	shalt  }
0x56: {  	_ =	shalt  }
0x57: {  	_ =	shalt  }
0x58: {  	_ =	shalt  }
0x59: {  	_ =	shalt  }
0x5a: {  	_ =	shalt  }
0x5b: {  	_ =	shalt  }
0x5c: {  	_ =	shalt  }
0x5d: {  	_ =	shalt  }
0x5e: {  	_ =	shalt  }
0x5f: {  	_ =	shalt  }
0x60: {  	_ =	shalt  }
0x61: {  	_ =	shalt  }
0x62: {  	_ =	shalt  }
0x63: {  	_ =	shalt  }
0x64: {  	_ =	shalt  }
0x65: {  	_ =	shalt  }
0x66: {  	_ =	shalt  }
0x67: {  	_ =	shalt  }
0x68: {  	_ =	shalt  }
0x69: {  	_ =	shalt  }
0x6a: {  	_ =	shalt  }
0x6b: {  	_ =	shalt  }
0x6c: {  	_ =	shalt  }
0x6d: {  	_ =	shalt  }
0x6e: {  	_ =	shalt  }
0x6f: {  	_ =	shalt  }
0x70: {  	_ =	shalt  }
0x71: {  	_ =	shalt  }
0x72: {  	_ =	shalt  }
0x73: {  	_ =	shalt  }
0x74: {  	_ =	shalt  }
0x75: {  	_ =	shalt  }
0x76: {  	_ =	shalt  }
0x77: {  	_ =	shalt  }
0x78: {  	_ =	shalt  }
0x79: {  	_ =	shalt  }
0x7a: {  	_ =	shalt  }
0x7b: {  	_ =	shalt  }
0x7c: {  	_ =	shalt  }
0x7d: {  	_ =	shalt  }
0x7e: {  	_ =	shalt  }
0x7f: {  	_ =	shalt  }
0x80: {  	_ =	shalt  }
0x81: {  	_ =	shalt  }
0x82: {  	_ =	shalt  }
0x83: {  	_ =	shalt  }
0x84: {  	_ =	shalt  }
0x85: {  	_ =	shalt  }
0x86: {  	_ =	shalt  }
0x87: {  	_ =	shalt  }
.Lfunc_end0:
.L_simem_size_0:
called_computation_lowered:
.L_overlay_start_0:
0x88: {  	s2 =	sld [smem:$0x3FD9]  }
0x89: {  	s3 =	sld [smem:$0x3FFE];
	_ =	sdelay $0x1  }
0x8a: {  	s1 =	srdreg.scid  }
0x8b: {  	s0 =	sand.u32 $0x1, s1  }
0x8c: {  	s18 =	sshll.u32 s0, $0xA;
	s2 =	sadd.s32 s3, s2  }
0x8d: {  	s2 =	sadd.s32 s2, s18  }
0x8e: {  	[smem:$0x3FC6] =	sst s2  }
0x8f: {  	_ = 	snop  }
0x90: {  	s2 =	sld [smem:$0x3FC9]  }
0x91: {  	s19 =	sld [smem:$0x3FC8]  }
0x92: {  	s4 =	sld [smem:$0x3FD0];
	(tm) =	ssettm $0x1  }
0x93: {  	s5 =	sld [smem:$0x3FFB];
	_ =	sdelay $0x3  }
0x94: {  	_ =	strace s5  }
0x95: {  	s5 =	sld [smem:$0x3FFC];
	_ =	sdelay $0x3  }
0x96: {  	_ =	strace s5  }
0x97: {  	s5 =	sld [smem:$0x3FFD];
	_ =	sdelay $0x3  }
0x98: {  	_ =	strace s5  }
0x99: {  	_ =	strace $0x8FFFFFFF  }
0x9a: {  	s20 =	sld [smem:$0x3FDB];
	_ =	sdelay $0x1  }
0x9b: {  	s6 =	simm.s32 $_scs_section_size  }
0x9c: {  	s7 =	simm.s32 $_size__tile_overlayer_lowered;
	s8 =	simm.s32 $_tile_overlayer_lowered  }
0x9d: {  	s23 =	simm.s32 $0x1BFF;
	s22 =	sshll.u32 s8, $0x1;
	s5 =	sadd.s32 s6, s20  }
0x9e: {  	s9 =	simm.s32 $0x0;
	s21 =	sshll.u32 s7, $0x1;
	s7 =	sadd.s32 s22, s5  }
0x9f: {  	[timem:s9], [sflag:s23] =	dma.local [hbm:s7], s21  }
0xa0: {  	_ =	swait.ge [sflag:s23], s21  }
0xa1: {  	s6 =	ssub.s32 $0x0, s21;
	[sflag:s23] =	ssyncset.done $0x0  }
0xa2: {  	[sflag:s23] =	ssyncadd.s32 s6;
	_ =	sdelay $0x1  }
0xa3: {  	s24 =	simm.s32 $0x1B8B  }
0xa4: {  	_ =	swait.ge [sflag:s24], $0x1  }
0xa5: {  	[sflag:s24] =	ssyncset.done $0x0  }
0xa6: {  	s25 =	simm.s32 $0x1B8E;
	[sflag:s24] =	ssyncadd.s32 $0xFFFFFFFF  }
0xa7: {  	s26 =	simm.s32 $execute0_lowered;
	[smem:$0x3FD2] =	sst s25  }
0xa8: {  	s6 =	sshll.u32 s26, $0x1;
	_ =	strace $0x80000046;
	[dreg:$0x1] =	wrdreg $0xFFFFFFFF  }
0xa9: {  	s28 =	simm.s32 $_size_execute0_lowered;
	s5 =	sadd.s32 s5, s6;
	[dreg:$0x0] =	wrdreg $0x0  }
0xaa: {  	s6 =	sshll.u32 s28, $0x1;
	[dreg:$0x2] =	wrdreg s5  }
0xab: {  	[dreg:$0x3] =	wrdreg s6  }
0xac: {  	[dreg:$0x4] =	wrdreg $0xC0  }
0xad: {  	_ =	task [dreg:s9], $0x5FFFF  }
0xae: {  	[dreg:$0x1] =	wrdreg $0xFFFFFFFF  }
0xaf: {  	[dreg:$0x0] =	wrdreg $0x60  }
0xb0: {  	[dreg:$0x2] =	wrdreg s2  }
0xb1: {  	[dreg:$0x3] =	wrdreg s19  }
0xb2: {  	[dreg:$0x4] =	wrdreg s4  }
0xb3: {  	[dreg:$0x5] =	wrdreg $0x9  }
0xb4: {  	_ =	task.clear_ibuf [dreg:s9], $0x6FFFF;
	_ =	strace $0x90000046  }
0xb5: {  	s29 =	simm.s32 $0x9;
	_ =	strace $0x80000048  }
0xb6: {  	_ =	swait.ge [sflag:s29], $0x1  }
0xb7: {  	[sflag:s29] =	ssyncadd.s32 $0xFFFFFFFF  }
0xb8: {  	_ =	strace $0x90000048  }
0xb9: {  	_ =	sfence  }
0xba: {  	s30 =	sld [smem:$0x0];
	_ =	sdelay $0x2  }
0xbb: {  	s31 =	sshll.u32 s1, $0xD;
	s1 =	sshrl.u32 s1, $0x2  }
0xbc: {  	s3 =	sand.u32 $0x4000, s31;
	s1 =	sadd.s32 s1, s30  }
0xbd: {  	s0 =	sor.u32 s3, s0;
	s1 =	sshll.u32 s1, $0x11  }
0xbe: {  	s0 =	sor.u32 s1, s0  }
0xbf: {  	s0 =	sadd.s32 $0x8F2B, s0  }
0xc0: {  	[sflag:s0] =	ssyncadd.remote.s32 $0x1  }
0xc1: {  	_ =	sfence.sel $0xFFFF  }
0xc2: {  	[dreg:$0x0] =	wrdreg $0xFFFFFFFF;
	(pc) =	sbr.abs _section_cstart, $3  }
0xc3: {  	[dreg:$0x1] =	wrdreg $0xFFFFFFFF  }
0xc4: {  	_ =	task.clear_ibuf [dreg:s9], $0x2FFFF;
	_ =	strace $0x9FFFFFFF  }
0xc5: {  	(tm) =	ssettm $0x7FFFFFFF  }
tec
execute0_lowered:
.L_overlay_start_1:
0x0: {  	(tag) =	ssettag $0x1  }
0x1: {  	s0 =	rddreg [dreg:$0x0]  }
0x2: {  	s1 =	rddreg [dreg:$0x1]  }
0x3: {  	s2 =	rddreg [dreg:$0x2];
	s3 =	simm.s32 $0x0  }
0x4: {  	s11 =	stileid.u32;
	s4 =	srdreg.scid;
	s28 =	simm.s32 $0x1880  }
0x5: {  	s29 =	simm.s32 $0x2080;
	s30 =	simm.s32 $0x2880;
	s31 =	simm.s32 $0xE080  }
0x6: {  	[smem:$0x7FF] =	sst s3;
	s5 =	sshll.u32 s11, $0x1;
	s4 =	sand.u32 $0x1, s4  }
0x7: {  	s13 =	sshrl.u32 s11, $0x3;
	s9 =	sadd.s32 $0x500, s1;
	s10 =	sadd.s32 $0x600, s1  }
0x8: {  	s23 =	sand.u32 $0x7, s11;
	s11 =	sadd.s32 $0x700, s1;
	s12 =	sadd.s32 $0x800, s1  }
0x9: {  	s16 =	sadd.s32 $0xC00, s1;
	_ =	strace $0x80000047;
	s5 =	sand.u32 $0xE, s5  }
0xa: {  	s6 =	ssub.s32 $0x2, s4;
	s22 =	sshll.u32 s13, $0x4;
	s19 =	smul.u32 $0x700000, s13  }
0xb: {  	s13 =	sadd.s32 $0x900, s1;
	s14 =	sor.u32 s4, s5;
	s7 =	sshrl.u32 s6, $0x1  }
0xc: {  	s0 =	sadd.s32 s0, s22;
	s5 =	sadd.s32 $0x100, s1;
	s4 =	sshll.u32 s4, $0x7  }
0xd: {  	s22 =	simm.s32 $0x4880;
	s8 =	sshll.u32 s14, $0x5;
	s18 =	ssub.s32 s6, s7  }
0xe: {  	s6 =	sadd.s32 $0x200, s1;
	s7 =	sadd.s32 $0x300, s1;
	s24 =	smul.u32 $0x70000, s14  }
0xf: {  	s14 =	sadd.s32 $0xA00, s1;
	s0 =	sadd.s32 s8, s0;
	s8 =	sadd.s32 $0x400, s1  }
0x10: {  	s18 =	smax.u32 s18, $0x1;
	[dreg:$0x6] =	wrdreg s0;
	s0 =	sshll.u32 s23, $0x8  }
0x11: {  	[dreg:$0x9] =	wrdreg s18;
	s18 =	simm.s32 $0x3;
	s23 =	simm.s32 $0x4  }
0x12: {  	s0 =	sor.u32 s4, s0;
	s4 =	sadd.s32 s19, s24;
	s24 =	simm.s32 $0x0  }
0x13: {  	s15 =	sshrl.u32 s0, $0x3;
	s0 =	sor.u32 $0x20, s0;
	s4 =	sshrl.u32 s4, $0x3  }
0x14: {  	[dreg:$0xa] =	wrdreg s24;
	s17 =	smul.u32 $0x7000, s15;
	s0 =	sshrl.u32 s0, $0x3  }
0x15: {  	s15 =	sadd.s32 $0xB00, s1;
	s21 =	sadd.s32 s2, s4;
	s0 =	smul.u32 $0x7000, s0  }
0x16: {  	[dreg:$0x7] =	wrdreg s21;
	s26 =	sadd.s32 $0xC400, s21;
	s21 =	simm.s32 $0x2  }
0x17: {  	s20 =	sadd.s32 s17, s19;
	s17 =	sadd.s32 $0xD00, s1;
	[dreg:$0x8] =	wrdreg s26  }
0x18: {  	s26 =	simm.s32 $0x880;
	s20 =	sor.u32 $0xE000, s20;
	s0 =	sadd.s32 s0, s19  }
0x19: {  	s19 =	simm.s32 $0x1;
	s25 =	sshrl.u32 s20, $0x3;
	s0 =	sshrl.u32 s0, $0x3  }
0x1a: {  	v2 =	vlaneseq.u32;
	s20 =	simm.s32 $0x5080;
	s4 =	sadd.s32 s25, s2;
	s0 =	sadd.s32 s0, s2  }
0x1b: {  	vm0 =	vmmov $0xffff;
	v1 =	vshrl.u32 v2, $0x3;
	s25 =	simm.s32 $0x1080;
	s2 =	simm.s32 $0x3880;
	[dreg:$0x4] =	wrdreg s4  }
0x1c: {  	v0 =	vand.u32 $0x7, v2;
	v2 =	vor.u32 $0x8, v2;
	v1 =	vmul.u32 $0x8, v1;
	[dreg:$0x5] =	wrdreg s0;
	s0 =	simm.s32 $0x3080;
	s4 =	simm.s32 $0x4080  }
.LBB2_1:
0x1d: {  	s24 =	rddreg [dreg:$0x6]  }
0x1e: {  	[tilespmem:s3], [sflag:$0x5] =	stream.linear.gather [hbm4b:s24+s3], $0x80, $0x38;
	[tilespmem:$0x1C080] =	vst v63  }
0x1f: {  	s24 =	simm.s32 $0x5  }
0x20: {  	_ =	swait.ge [sflag:s24], $0x80  }
0x21: {  	[sflag:s24] =	ssyncset.done $0x0  }
0x22: {  	[sflag:s24] =	ssyncadd.s32 $0xFFFFFF80  }
0x23: {  	v3 =	vld [tilespmem:$0x0];
	_ =	sdelay $0x4  }
0x24: {  	v4 =	vshrl.u32 v3, $0x3  }
0x25: {  	v4 =	vmul.u32 $0xE0, v4  }
0x26: {  	v3 =	vand.u32 $0x7, v3  }
0x27: {  	v3 =	vor.u32 v3, v4  }
0x28: {  	v4 =	vperm.xlane v3, v0;
	_ =	sdelay $0x1  }
0x29: {  	v4 =	vadd.s32 v1, v4;
	_ =	sdelay $0x3  }
0x2a: {  	s24 =	simm.s32 $0x80  }
0x2b: {  	[tilespmem:s24], [sflag:$0x1] =	stream.indirect_vreg.gather [hbm4b:s1+s3], $0x80, v4, vm0, $0xb8;
	[tilespmem:$0x1C080] =	vst v63  }
0x2c: {  	_ = 	snop  }
0x2d: {  	[tilespmem:s26], [sflag:$0x1] =	stream.indirect_vreg.gather [hbm4b:s5+s3], $0x80, v4, vm0, $0xb8;
	[tilespmem:$0x1C080] =	vst v63  }
0x2e: {  	_ = 	snop  }
0x2f: {  	[tilespmem:s25], [sflag:$0x1] =	stream.indirect_vreg.gather [hbm4b:s6+s3], $0x80, v4, vm0, $0xb8;
	[tilespmem:$0x1C080] =	vst v63  }
0x30: {  	_ = 	snop  }
0x31: {  	[tilespmem:s28], [sflag:$0x1] =	stream.indirect_vreg.gather [hbm4b:s7+s3], $0x80, v4, vm0, $0xb8;
	[tilespmem:$0x1C080] =	vst v63  }
0x32: {  	_ = 	snop  }
0x33: {  	[tilespmem:s29], [sflag:$0x1] =	stream.indirect_vreg.gather [hbm4b:s8+s3], $0x80, v4, vm0, $0xb8;
	[tilespmem:$0x1C080] =	vst v63  }
0x34: {  	_ = 	snop  }
0x35: {  	[tilespmem:s30], [sflag:$0x1] =	stream.indirect_vreg.gather [hbm4b:s9+s3], $0x80, v4, vm0, $0xb8;
	[tilespmem:$0x1C080] =	vst v63  }
0x36: {  	_ = 	snop  }
0x37: {  	[tilespmem:s0], [sflag:$0x1] =	stream.indirect_vreg.gather [hbm4b:s10+s3], $0x80, v4, vm0, $0xb8;
	[tilespmem:$0x1C080] =	vst v63  }
0x38: {  	_ = 	snop  }
0x39: {  	[tilespmem:s2], [sflag:$0x1] =	stream.indirect_vreg.gather [hbm4b:s11+s3], $0x80, v4, vm0, $0xb8;
	[tilespmem:$0x1C080] =	vst v63  }
0x3a: {  	_ = 	snop  }
0x3b: {  	[tilespmem:s4], [sflag:$0x1] =	stream.indirect_vreg.gather [hbm4b:s12+s3], $0x80, v4, vm0, $0xb8;
	[tilespmem:$0x1C080] =	vst v63  }
0x3c: {  	_ = 	snop  }
0x3d: {  	[tilespmem:s22], [sflag:$0x1] =	stream.indirect_vreg.gather [hbm4b:s13+s3], $0x80, v4, vm0, $0xb8;
	[tilespmem:$0x1C080] =	vst v63  }
0x3e: {  	_ = 	snop  }
0x3f: {  	[tilespmem:s20], [sflag:$0x1] =	stream.indirect_vreg.gather [hbm4b:s14+s3], $0x80, v4, vm0, $0xb8;
	[tilespmem:$0x1C080] =	vst v63  }
0x40: {  	v3 =	vperm.xlane v3, v2;
	s4 =	simm.s32 $0x5880  }
0x41: {  	[tilespmem:s4], [sflag:$0x1] =	stream.indirect_vreg.gather [hbm4b:s15+s3], $0x80, v4, vm0, $0xb8;
	[tilespmem:$0x1C080] =	vst v63  }
0x42: {  	v3 =	vadd.s32 v1, v3;
	s20 =	simm.s32 $0x6080  }
0x43: {  	[tilespmem:s20], [sflag:$0x1] =	stream.indirect_vreg.gather [hbm4b:s16+s3], $0x80, v4, vm0, $0xb8;
	[tilespmem:$0x1C080] =	vst v63  }
0x44: {  	s22 =	simm.s32 $0x6880  }
0x45: {  	[tilespmem:s22], [sflag:$0x1] =	stream.indirect_vreg.gather [hbm4b:s17+s3], $0x80, v4, vm0, $0xb8;
	[tilespmem:$0x1C080] =	vst v63  }
0x46: {  	s24 =	simm.s32 $0x7080  }
0x47: {  	[tilespmem:s24], [sflag:$0x1] =	stream.indirect_vreg.gather [hbm4b:s1+s3], $0x80, v3, vm0, $0xb8;
	[tilespmem:$0x1C080] =	vst v63  }
0x48: {  	s25 =	simm.s32 $0x7880  }
0x49: {  	[tilespmem:s25], [sflag:$0x1] =	stream.indirect_vreg.gather [hbm4b:s5+s3], $0x80, v3, vm0, $0xb8;
	[tilespmem:$0x1C080] =	vst v63  }
0x4a: {  	s2 =	simm.s32 $0x8080  }
0x4b: {  	[tilespmem:s2], [sflag:$0x1] =	stream.indirect_vreg.gather [hbm4b:s6+s3], $0x80, v3, vm0, $0xb8;
	[tilespmem:$0x1C080] =	vst v63  }
0x4c: {  	s4 =	simm.s32 $0x8880  }
0x4d: {  	[tilespmem:s4], [sflag:$0x1] =	stream.indirect_vreg.gather [hbm4b:s7+s3], $0x80, v3, vm0, $0xb8;
	[tilespmem:$0x1C080] =	vst v63  }
0x4e: {  	s20 =	simm.s32 $0x9080  }
0x4f: {  	[tilespmem:s20], [sflag:$0x1] =	stream.indirect_vreg.gather [hbm4b:s8+s3], $0x80, v3, vm0, $0xb8;
	[tilespmem:$0x1C080] =	vst v63  }
0x50: {  	s22 =	simm.s32 $0x9880  }
0x51: {  	[tilespmem:s22], [sflag:$0x1] =	stream.indirect_vreg.gather [hbm4b:s9+s3], $0x80, v3, vm0, $0xb8;
	[tilespmem:$0x1C080] =	vst v63  }
0x52: {  	s24 =	simm.s32 $0xA080  }
0x53: {  	[tilespmem:s24], [sflag:$0x1] =	stream.indirect_vreg.gather [hbm4b:s10+s3], $0x80, v3, vm0, $0xb8;
	[tilespmem:$0x1C080] =	vst v63  }
0x54: {  	s25 =	simm.s32 $0xA880  }
0x55: {  	[tilespmem:s25], [sflag:$0x1] =	stream.indirect_vreg.gather [hbm4b:s11+s3], $0x80, v3, vm0, $0xb8;
	[tilespmem:$0x1C080] =	vst v63  }
0x56: {  	s2 =	simm.s32 $0xB080  }
0x57: {  	[tilespmem:s2], [sflag:$0x1] =	stream.indirect_vreg.gather [hbm4b:s12+s3], $0x80, v3, vm0, $0xb8;
	[tilespmem:$0x1C080] =	vst v63  }
0x58: {  	s4 =	simm.s32 $0xB880  }
0x59: {  	[tilespmem:s4], [sflag:$0x1] =	stream.indirect_vreg.gather [hbm4b:s13+s3], $0x80, v3, vm0, $0xb8;
	[tilespmem:$0x1C080] =	vst v63  }
0x5a: {  	s20 =	simm.s32 $0xC080  }
0x5b: {  	[tilespmem:s20], [sflag:$0x1] =	stream.indirect_vreg.gather [hbm4b:s14+s3], $0x80, v3, vm0, $0xb8;
	[tilespmem:$0x1C080] =	vst v63  }
0x5c: {  	s22 =	simm.s32 $0xC880  }
0x5d: {  	[tilespmem:s22], [sflag:$0x1] =	stream.indirect_vreg.gather [hbm4b:s15+s3], $0x80, v3, vm0, $0xb8;
	[tilespmem:$0x1C080] =	vst v63  }
0x5e: {  	s24 =	simm.s32 $0xD080  }
0x5f: {  	[tilespmem:s24], [sflag:$0x1] =	stream.indirect_vreg.gather [hbm4b:s16+s3], $0x80, v3, vm0, $0xb8;
	[tilespmem:$0x1C080] =	vst v63  }
0x60: {  	s25 =	simm.s32 $0xD880  }
0x61: {  	[tilespmem:s25], [sflag:$0x1] =	stream.indirect_vreg.gather [hbm4b:s17+s3], $0x80, v3, vm0, $0xb8;
	[tilespmem:$0x1C080] =	vst v63  }
0x62: {  	v3 =	vld [tilespmem:$0x10];
	_ =	sdelay $0x4  }
0x63: {  	v63 =	vshrl.u32 v3, $0x3  }
0x64: {  	v4 =	vmul.u32 $0xE0, v63  }
0x65: {  	v3 =	vand.u32 $0x7, v3  }
0x66: {  	v3 =	vor.u32 v3, v4  }
0x67: {  	v4 =	vperm.xlane v3, v0;
	_ =	sdelay $0x1  }
0x68: {  	v4 =	vadd.s32 v1, v4;
	_ =	sdelay $0x4  }
0x69: {  	[tilespmem:s31], [sflag:$0x2] =	stream.indirect_vreg.gather [hbm4b:s1+s3], $0x80, v4, vm0, $0xb8;
	[tilespmem:$0x1C080] =	vst v63  }
0x6a: {  	s31 =	simm.s32 $0xE880  }
0x6b: {  	[tilespmem:s31], [sflag:$0x2] =	stream.indirect_vreg.gather [hbm4b:s5+s3], $0x80, v4, vm0, $0xb8;
	[tilespmem:$0x1C080] =	vst v63  }
0x6c: {  	s2 =	simm.s32 $0xF080  }
0x6d: {  	[tilespmem:s2], [sflag:$0x2] =	stream.indirect_vreg.gather [hbm4b:s6+s3], $0x80, v4, vm0, $0xb8;
	[tilespmem:$0x1C080] =	vst v63  }
0x6e: {  	s4 =	simm.s32 $0xF880  }
0x6f: {  	[tilespmem:s4], [sflag:$0x2] =	stream.indirect_vreg.gather [hbm4b:s7+s3], $0x80, v4, vm0, $0xb8;
	[tilespmem:$0x1C080] =	vst v63  }
0x70: {  	s20 =	simm.s32 $0x10080  }
0x71: {  	[tilespmem:s20], [sflag:$0x2] =	stream.indirect_vreg.gather [hbm4b:s8+s3], $0x80, v4, vm0, $0xb8;
	[tilespmem:$0x1C080] =	vst v63  }
0x72: {  	s22 =	simm.s32 $0x10880  }
0x73: {  	[tilespmem:s22], [sflag:$0x2] =	stream.indirect_vreg.gather [hbm4b:s9+s3], $0x80, v4, vm0, $0xb8;
	[tilespmem:$0x1C080] =	vst v63  }
0x74: {  	s24 =	simm.s32 $0x11080  }
0x75: {  	[tilespmem:s24], [sflag:$0x2] =	stream.indirect_vreg.gather [hbm4b:s10+s3], $0x80, v4, vm0, $0xb8;
	[tilespmem:$0x1C080] =	vst v63  }
0x76: {  	s25 =	simm.s32 $0x11880  }
0x77: {  	[tilespmem:s25], [sflag:$0x2] =	stream.indirect_vreg.gather [hbm4b:s11+s3], $0x80, v4, vm0, $0xb8;
	[tilespmem:$0x1C080] =	vst v63  }
0x78: {  	s31 =	simm.s32 $0x12080  }
0x79: {  	[tilespmem:s31], [sflag:$0x2] =	stream.indirect_vreg.gather [hbm4b:s12+s3], $0x80, v4, vm0, $0xb8;
	[tilespmem:$0x1C080] =	vst v63  }
0x7a: {  	s2 =	simm.s32 $0x12880  }
0x7b: {  	[tilespmem:s2], [sflag:$0x2] =	stream.indirect_vreg.gather [hbm4b:s13+s3], $0x80, v4, vm0, $0xb8;
	[tilespmem:$0x1C080] =	vst v63  }
0x7c: {  	s4 =	simm.s32 $0x13080  }
0x7d: {  	[tilespmem:s4], [sflag:$0x2] =	stream.indirect_vreg.gather [hbm4b:s14+s3], $0x80, v4, vm0, $0xb8;
	[tilespmem:$0x1C080] =	vst v63  }
0x7e: {  	v3 =	vperm.xlane v3, v2;
	s20 =	simm.s32 $0x13880  }
0x7f: {  	[tilespmem:s20], [sflag:$0x2] =	stream.indirect_vreg.gather [hbm4b:s15+s3], $0x80, v4, vm0, $0xb8;
	[tilespmem:$0x1C080] =	vst v63  }
0x80: {  	v3 =	vadd.s32 v1, v3;
	s22 =	simm.s32 $0x14080  }
0x81: {  	[tilespmem:s22], [sflag:$0x2] =	stream.indirect_vreg.gather [hbm4b:s16+s3], $0x80, v4, vm0, $0xb8;
	[tilespmem:$0x1C080] =	vst v63  }
0x82: {  	s24 =	simm.s32 $0x14880  }
0x83: {  	[tilespmem:s24], [sflag:$0x2] =	stream.indirect_vreg.gather [hbm4b:s17+s3], $0x80, v4, vm0, $0xb8;
	[tilespmem:$0x1C080] =	vst v63  }
0x84: {  	s25 =	simm.s32 $0x15080  }
0x85: {  	[tilespmem:s25], [sflag:$0x2] =	stream.indirect_vreg.gather [hbm4b:s1+s3], $0x80, v3, vm0, $0xb8;
	[tilespmem:$0x1C080] =	vst v63  }
0x86: {  	s31 =	simm.s32 $0x15880  }
0x87: {  	[tilespmem:s31], [sflag:$0x2] =	stream.indirect_vreg.gather [hbm4b:s5+s3], $0x80, v3, vm0, $0xb8;
	[tilespmem:$0x1C080] =	vst v63  }
0x88: {  	s2 =	simm.s32 $0x16080  }
0x89: {  	[tilespmem:s2], [sflag:$0x2] =	stream.indirect_vreg.gather [hbm4b:s6+s3], $0x80, v3, vm0, $0xb8;
	[tilespmem:$0x1C080] =	vst v63  }
0x8a: {  	s4 =	simm.s32 $0x16880  }
0x8b: {  	[tilespmem:s4], [sflag:$0x2] =	stream.indirect_vreg.gather [hbm4b:s7+s3], $0x80, v3, vm0, $0xb8;
	[tilespmem:$0x1C080] =	vst v63  }
0x8c: {  	s20 =	simm.s32 $0x17080  }
0x8d: {  	[tilespmem:s20], [sflag:$0x2] =	stream.indirect_vreg.gather [hbm4b:s8+s3], $0x80, v3, vm0, $0xb8;
	[tilespmem:$0x1C080] =	vst v63  }
0x8e: {  	s22 =	simm.s32 $0x17880  }
0x8f: {  	[tilespmem:s22], [sflag:$0x2] =	stream.indirect_vreg.gather [hbm4b:s9+s3], $0x80, v3, vm0, $0xb8;
	[tilespmem:$0x1C080] =	vst v63  }
0x90: {  	s24 =	simm.s32 $0x18080  }
0x91: {  	[tilespmem:s24], [sflag:$0x2] =	stream.indirect_vreg.gather [hbm4b:s10+s3], $0x80, v3, vm0, $0xb8;
	[tilespmem:$0x1C080] =	vst v63  }
0x92: {  	s25 =	simm.s32 $0x18880  }
0x93: {  	[tilespmem:s25], [sflag:$0x2] =	stream.indirect_vreg.gather [hbm4b:s11+s3], $0x80, v3, vm0, $0xb8;
	[tilespmem:$0x1C080] =	vst v63  }
0x94: {  	s31 =	simm.s32 $0x19080  }
0x95: {  	[tilespmem:s31], [sflag:$0x2] =	stream.indirect_vreg.gather [hbm4b:s12+s3], $0x80, v3, vm0, $0xb8;
	[tilespmem:$0x1C080] =	vst v63  }
0x96: {  	s2 =	simm.s32 $0x19880  }
0x97: {  	[tilespmem:s2], [sflag:$0x2] =	stream.indirect_vreg.gather [hbm4b:s13+s3], $0x80, v3, vm0, $0xb8;
	[tilespmem:$0x1C080] =	vst v63  }
0x98: {  	s4 =	simm.s32 $0x1A080  }
0x99: {  	[tilespmem:s4], [sflag:$0x2] =	stream.indirect_vreg.gather [hbm4b:s14+s3], $0x80, v3, vm0, $0xb8;
	[tilespmem:$0x1C080] =	vst v63  }
0x9a: {  	s20 =	simm.s32 $0x1A880  }
0x9b: {  	[tilespmem:s20], [sflag:$0x2] =	stream.indirect_vreg.gather [hbm4b:s15+s3], $0x80, v3, vm0, $0xb8;
	[tilespmem:$0x1C080] =	vst v63  }
0x9c: {  	s22 =	simm.s32 $0x1B080  }
0x9d: {  	[tilespmem:s22], [sflag:$0x2] =	stream.indirect_vreg.gather [hbm4b:s16+s3], $0x80, v3, vm0, $0xb8;
	[tilespmem:$0x1C080] =	vst v63  }
0x9e: {  	s28 =	simm.s32 $0x1080;
	s29 =	simm.s32 $0x5080;
	s24 =	simm.s32 $0x1B880  }
0x9f: {  	[tilespmem:s24], [sflag:$0x2] =	stream.indirect_vreg.gather [hbm4b:s17+s3], $0x80, v3, vm0, $0xb8;
	[tilespmem:$0x1C080] =	vst v63  }
0xa0: {  	s30 =	simm.s32 $0x2080;
	s31 =	simm.s32 $0x80;
	_ =	swait.ge [sflag:s19], $0xE000  }
0xa1: {  	s2 =	simm.s32 $0x3880;
	s4 =	simm.s32 $0x4080;
	[sflag:s19] =	ssyncset.done $0x0  }
0xa2: {  	s20 =	simm.s32 $0x80;
	s25 =	rddreg [dreg:$0x7];
	[sflag:s19] =	ssyncadd.s32 $0xFFFF2000  }
0xa3: {  	[hbm4b:s25+s3] =	stream.linear.scatter [tilespmem:s31], [sflag:$0x3], $0xE000, $0x38;
	[tilespmem:$0x1C080] =	vst v63  }
0xa4: {  	s22 =	simm.s32 $0x4880;
	s24 =	simm.s32 $0x30;
	s25 =	simm.s32 $0x0  }
.LBB2_2:
0xa5: {  	_ =	swait.ge [sflag:s18], $0xE000  }
0xa6: {  	[sflag:s18] =	ssyncset.done $0x0  }
0xa7: {  	[sflag:s18] =	ssyncadd.s32 $0xFFFF2000  }
0xa8: {  	v3 =	vld [tilespmem:s24+$0xFFFFFFF0];
	_ =	sdelay $0x4  }
0xa9: {  	v4 =	vshrl.u32 v3, $0x3  }
0xaa: {  	v4 =	vmul.u32 $0xE0, v4  }
0xab: {  	v3 =	vand.u32 $0x7, v3  }
0xac: {  	v3 =	vor.u32 v3, v4  }
0xad: {  	v4 =	vperm.xlane v3, v0;
	_ =	sdelay $0x1  }
0xae: {  	v4 =	vadd.s32 v1, v4;
	_ =	sdelay $0x4  }
0xaf: {  	[tilespmem:s20], [sflag:$0x1] =	stream.indirect_vreg.gather [hbm4b:s1+s3], $0x80, v4, vm0, $0xb8;
	[tilespmem:$0x1C080] =	vst v63  }
0xb0: {  	_ = 	snop  }
0xb1: {  	[tilespmem:s26], [sflag:$0x1] =	stream.indirect_vreg.gather [hbm4b:s5+s3], $0x80, v4, vm0, $0xb8;
	[tilespmem:$0x1C080] =	vst v63  }
0xb2: {  	_ = 	snop  }
0xb3: {  	[tilespmem:s28], [sflag:$0x1] =	stream.indirect_vreg.gather [hbm4b:s6+s3], $0x80, v4, vm0, $0xb8;
	[tilespmem:$0x1C080] =	vst v63  }
0xb4: {  	s0 =	simm.s32 $0x1880  }
0xb5: {  	[tilespmem:s0], [sflag:$0x1] =	stream.indirect_vreg.gather [hbm4b:s7+s3], $0x80, v4, vm0, $0xb8;
	[tilespmem:$0x1C080] =	vst v63  }
0xb6: {  	_ = 	snop  }
0xb7: {  	[tilespmem:s30], [sflag:$0x1] =	stream.indirect_vreg.gather [hbm4b:s8+s3], $0x80, v4, vm0, $0xb8;
	[tilespmem:$0x1C080] =	vst v63  }
0xb8: {  	s26 =	simm.s32 $0x2880  }
0xb9: {  	[tilespmem:s26], [sflag:$0x1] =	stream.indirect_vreg.gather [hbm4b:s9+s3], $0x80, v4, vm0, $0xb8;
	[tilespmem:$0x1C080] =	vst v63  }
0xba: {  	s26 =	simm.s32 $0x3080  }
0xbb: {  	[tilespmem:s26], [sflag:$0x1] =	stream.indirect_vreg.gather [hbm4b:s10+s3], $0x80, v4, vm0, $0xb8;
	[tilespmem:$0x1C080] =	vst v63  }
0xbc: {  	_ = 	snop  }
0xbd: {  	[tilespmem:s2], [sflag:$0x1] =	stream.indirect_vreg.gather [hbm4b:s11+s3], $0x80, v4, vm0, $0xb8;
	[tilespmem:$0x1C080] =	vst v63  }
0xbe: {  	_ = 	snop  }
0xbf: {  	[tilespmem:s4], [sflag:$0x1] =	stream.indirect_vreg.gather [hbm4b:s12+s3], $0x80, v4, vm0, $0xb8;
	[tilespmem:$0x1C080] =	vst v63  }
0xc0: {  	_ = 	snop  }
0xc1: {  	[tilespmem:s22], [sflag:$0x1] =	stream.indirect_vreg.gather [hbm4b:s13+s3], $0x80, v4, vm0, $0xb8;
	[tilespmem:$0x1C080] =	vst v63  }
0xc2: {  	_ = 	snop  }
0xc3: {  	[tilespmem:s29], [sflag:$0x1] =	stream.indirect_vreg.gather [hbm4b:s14+s3], $0x80, v4, vm0, $0xb8;
	[tilespmem:$0x1C080] =	vst v63  }
0xc4: {  	v3 =	vperm.xlane v3, v2;
	s26 =	simm.s32 $0x5880  }
0xc5: {  	[tilespmem:s26], [sflag:$0x1] =	stream.indirect_vreg.gather [hbm4b:s15+s3], $0x80, v4, vm0, $0xb8;
	[tilespmem:$0x1C080] =	vst v63  }
0xc6: {  	v3 =	vadd.s32 v1, v3;
	s26 =	simm.s32 $0x6080  }
0xc7: {  	[tilespmem:s26], [sflag:$0x1] =	stream.indirect_vreg.gather [hbm4b:s16+s3], $0x80, v4, vm0, $0xb8;
	[tilespmem:$0x1C080] =	vst v63  }
0xc8: {  	s26 =	simm.s32 $0x6880  }
0xc9: {  	[tilespmem:s26], [sflag:$0x1] =	stream.indirect_vreg.gather [hbm4b:s17+s3], $0x80, v4, vm0, $0xb8;
	[tilespmem:$0x1C080] =	vst v63  }
0xca: {  	s26 =	simm.s32 $0x7080  }
0xcb: {  	[tilespmem:s26], [sflag:$0x1] =	stream.indirect_vreg.gather [hbm4b:s1+s3], $0x80, v3, vm0, $0xb8;
	[tilespmem:$0x1C080] =	vst v63  }
0xcc: {  	s26 =	simm.s32 $0x7880  }
0xcd: {  	[tilespmem:s26], [sflag:$0x1] =	stream.indirect_vreg.gather [hbm4b:s5+s3], $0x80, v3, vm0, $0xb8;
	[tilespmem:$0x1C080] =	vst v63  }
0xce: {  	s26 =	simm.s32 $0x8080  }
0xcf: {  	[tilespmem:s26], [sflag:$0x1] =	stream.indirect_vreg.gather [hbm4b:s6+s3], $0x80, v3, vm0, $0xb8;
	[tilespmem:$0x1C080] =	vst v63  }
0xd0: {  	s26 =	simm.s32 $0x8880  }
0xd1: {  	[tilespmem:s26], [sflag:$0x1] =	stream.indirect_vreg.gather [hbm4b:s7+s3], $0x80, v3, vm0, $0xb8;
	[tilespmem:$0x1C080] =	vst v63  }
0xd2: {  	s26 =	simm.s32 $0x9080  }
0xd3: {  	[tilespmem:s26], [sflag:$0x1] =	stream.indirect_vreg.gather [hbm4b:s8+s3], $0x80, v3, vm0, $0xb8;
	[tilespmem:$0x1C080] =	vst v63  }
0xd4: {  	s26 =	simm.s32 $0x9880  }
0xd5: {  	[tilespmem:s26], [sflag:$0x1] =	stream.indirect_vreg.gather [hbm4b:s9+s3], $0x80, v3, vm0, $0xb8;
	[tilespmem:$0x1C080] =	vst v63  }
0xd6: {  	s26 =	simm.s32 $0xA080  }
0xd7: {  	[tilespmem:s26], [sflag:$0x1] =	stream.indirect_vreg.gather [hbm4b:s10+s3], $0x80, v3, vm0, $0xb8;
	[tilespmem:$0x1C080] =	vst v63  }
0xd8: {  	s26 =	simm.s32 $0xA880  }
0xd9: {  	[tilespmem:s26], [sflag:$0x1] =	stream.indirect_vreg.gather [hbm4b:s11+s3], $0x80, v3, vm0, $0xb8;
	[tilespmem:$0x1C080] =	vst v63  }
0xda: {  	s26 =	simm.s32 $0xB080  }
0xdb: {  	[tilespmem:s26], [sflag:$0x1] =	stream.indirect_vreg.gather [hbm4b:s12+s3], $0x80, v3, vm0, $0xb8;
	[tilespmem:$0x1C080] =	vst v63  }
0xdc: {  	s26 =	simm.s32 $0xB880  }
0xdd: {  	[tilespmem:s26], [sflag:$0x1] =	stream.indirect_vreg.gather [hbm4b:s13+s3], $0x80, v3, vm0, $0xb8;
	[tilespmem:$0x1C080] =	vst v63  }
0xde: {  	s26 =	simm.s32 $0xC080  }
0xdf: {  	[tilespmem:s26], [sflag:$0x1] =	stream.indirect_vreg.gather [hbm4b:s14+s3], $0x80, v3, vm0, $0xb8;
	[tilespmem:$0x1C080] =	vst v63  }
0xe0: {  	s26 =	simm.s32 $0xC880  }
0xe1: {  	[tilespmem:s26], [sflag:$0x1] =	stream.indirect_vreg.gather [hbm4b:s15+s3], $0x80, v3, vm0, $0xb8;
	[tilespmem:$0x1C080] =	vst v63  }
0xe2: {  	s26 =	simm.s32 $0xD080  }
0xe3: {  	[tilespmem:s26], [sflag:$0x1] =	stream.indirect_vreg.gather [hbm4b:s16+s3], $0x80, v3, vm0, $0xb8;
	[tilespmem:$0x1C080] =	vst v63  }
0xe4: {  	s26 =	simm.s32 $0xD880  }
0xe5: {  	[tilespmem:s26], [sflag:$0x1] =	stream.indirect_vreg.gather [hbm4b:s17+s3], $0x80, v3, vm0, $0xb8;
	[tilespmem:$0x1C080] =	vst v63  }
0xe6: {  	_ =	swait.ge [sflag:s21], $0xE000  }
0xe7: {  	s0 =	rddreg [dreg:$0x4];
	[sflag:s21] =	ssyncset.done $0x0  }
0xe8: {  	[sflag:s21] =	ssyncadd.s32 $0xFFFF2000;
	s26 =	sadd.s32 s25, s0;
	s0 =	simm.s32 $0xE080  }
0xe9: {  	[hbm4b:s26+s3] =	stream.linear.scatter [tilespmem:s0], [sflag:$0x4], $0xE000, $0x38;
	[tilespmem:$0x1C080] =	vst v63  }
0xea: {  	_ =	swait.ge [sflag:s23], $0xE000  }
0xeb: {  	[sflag:s23] =	ssyncset.done $0x0  }
0xec: {  	[sflag:s23] =	ssyncadd.s32 $0xFFFF2000  }
0xed: {  	v3 =	vld [tilespmem:s24+$0x0];
	_ =	sdelay $0x4  }
0xee: {  	v63 =	vshrl.u32 v3, $0x3  }
0xef: {  	v4 =	vmul.u32 $0xE0, v63  }
0xf0: {  	v3 =	vand.u32 $0x7, v3  }
0xf1: {  	v3 =	vor.u32 v3, v4  }
0xf2: {  	v4 =	vperm.xlane v3, v0;
	_ =	sdelay $0x1  }
0xf3: {  	v4 =	vadd.s32 v1, v4;
	_ =	sdelay $0x4  }
0xf4: {  	[tilespmem:s0], [sflag:$0x2] =	stream.indirect_vreg.gather [hbm4b:s1+s3], $0x80, v4, vm0, $0xb8;
	[tilespmem:$0x1C080] =	vst v63  }
0xf5: {  	s26 =	simm.s32 $0xE880  }
0xf6: {  	[tilespmem:s26], [sflag:$0x2] =	stream.indirect_vreg.gather [hbm4b:s5+s3], $0x80, v4, vm0, $0xb8;
	[tilespmem:$0x1C080] =	vst v63  }
0xf7: {  	s26 =	simm.s32 $0xF080  }
0xf8: {  	[tilespmem:s26], [sflag:$0x2] =	stream.indirect_vreg.gather [hbm4b:s6+s3], $0x80, v4, vm0, $0xb8;
	[tilespmem:$0x1C080] =	vst v63  }
0xf9: {  	s26 =	simm.s32 $0xF880  }
0xfa: {  	[tilespmem:s26], [sflag:$0x2] =	stream.indirect_vreg.gather [hbm4b:s7+s3], $0x80, v4, vm0, $0xb8;
	[tilespmem:$0x1C080] =	vst v63  }
0xfb: {  	s26 =	simm.s32 $0x10080  }
0xfc: {  	[tilespmem:s26], [sflag:$0x2] =	stream.indirect_vreg.gather [hbm4b:s8+s3], $0x80, v4, vm0, $0xb8;
	[tilespmem:$0x1C080] =	vst v63  }
0xfd: {  	s26 =	simm.s32 $0x10880  }
0xfe: {  	[tilespmem:s26], [sflag:$0x2] =	stream.indirect_vreg.gather [hbm4b:s9+s3], $0x80, v4, vm0, $0xb8;
	[tilespmem:$0x1C080] =	vst v63  }
0xff: {  	s26 =	simm.s32 $0x11080  }
0x100: {  	[tilespmem:s26], [sflag:$0x2] =	stream.indirect_vreg.gather [hbm4b:s10+s3], $0x80, v4, vm0, $0xb8;
	[tilespmem:$0x1C080] =	vst v63  }
0x101: {  	s26 =	simm.s32 $0x11880  }
0x102: {  	[tilespmem:s26], [sflag:$0x2] =	stream.indirect_vreg.gather [hbm4b:s11+s3], $0x80, v4, vm0, $0xb8;
	[tilespmem:$0x1C080] =	vst v63  }
0x103: {  	s26 =	simm.s32 $0x12080  }
0x104: {  	[tilespmem:s26], [sflag:$0x2] =	stream.indirect_vreg.gather [hbm4b:s12+s3], $0x80, v4, vm0, $0xb8;
	[tilespmem:$0x1C080] =	vst v63  }
0x105: {  	s26 =	simm.s32 $0x12880  }
0x106: {  	[tilespmem:s26], [sflag:$0x2] =	stream.indirect_vreg.gather [hbm4b:s13+s3], $0x80, v4, vm0, $0xb8;
	[tilespmem:$0x1C080] =	vst v63  }
0x107: {  	s26 =	simm.s32 $0x13080  }
0x108: {  	[tilespmem:s26], [sflag:$0x2] =	stream.indirect_vreg.gather [hbm4b:s14+s3], $0x80, v4, vm0, $0xb8;
	[tilespmem:$0x1C080] =	vst v63  }
0x109: {  	v3 =	vperm.xlane v3, v2;
	s26 =	simm.s32 $0x13880  }
0x10a: {  	[tilespmem:s26], [sflag:$0x2] =	stream.indirect_vreg.gather [hbm4b:s15+s3], $0x80, v4, vm0, $0xb8;
	[tilespmem:$0x1C080] =	vst v63  }
0x10b: {  	v3 =	vadd.s32 v1, v3;
	s26 =	simm.s32 $0x14080  }
0x10c: {  	[tilespmem:s26], [sflag:$0x2] =	stream.indirect_vreg.gather [hbm4b:s16+s3], $0x80, v4, vm0, $0xb8;
	[tilespmem:$0x1C080] =	vst v63  }
0x10d: {  	s26 =	simm.s32 $0x14880  }
0x10e: {  	[tilespmem:s26], [sflag:$0x2] =	stream.indirect_vreg.gather [hbm4b:s17+s3], $0x80, v4, vm0, $0xb8;
	[tilespmem:$0x1C080] =	vst v63  }
0x10f: {  	s26 =	simm.s32 $0x15080  }
0x110: {  	[tilespmem:s26], [sflag:$0x2] =	stream.indirect_vreg.gather [hbm4b:s1+s3], $0x80, v3, vm0, $0xb8;
	[tilespmem:$0x1C080] =	vst v63  }
0x111: {  	s26 =	simm.s32 $0x15880  }
0x112: {  	[tilespmem:s26], [sflag:$0x2] =	stream.indirect_vreg.gather [hbm4b:s5+s3], $0x80, v3, vm0, $0xb8;
	[tilespmem:$0x1C080] =	vst v63  }
0x113: {  	s26 =	simm.s32 $0x16080  }
0x114: {  	[tilespmem:s26], [sflag:$0x2] =	stream.indirect_vreg.gather [hbm4b:s6+s3], $0x80, v3, vm0, $0xb8;
	[tilespmem:$0x1C080] =	vst v63  }
0x115: {  	s26 =	simm.s32 $0x16880  }
0x116: {  	[tilespmem:s26], [sflag:$0x2] =	stream.indirect_vreg.gather [hbm4b:s7+s3], $0x80, v3, vm0, $0xb8;
	[tilespmem:$0x1C080] =	vst v63  }
0x117: {  	s26 =	simm.s32 $0x17080  }
0x118: {  	[tilespmem:s26], [sflag:$0x2] =	stream.indirect_vreg.gather [hbm4b:s8+s3], $0x80, v3, vm0, $0xb8;
	[tilespmem:$0x1C080] =	vst v63  }
0x119: {  	s26 =	simm.s32 $0x17880  }
0x11a: {  	[tilespmem:s26], [sflag:$0x2] =	stream.indirect_vreg.gather [hbm4b:s9+s3], $0x80, v3, vm0, $0xb8;
	[tilespmem:$0x1C080] =	vst v63  }
0x11b: {  	s26 =	simm.s32 $0x18080  }
0x11c: {  	[tilespmem:s26], [sflag:$0x2] =	stream.indirect_vreg.gather [hbm4b:s10+s3], $0x80, v3, vm0, $0xb8;
	[tilespmem:$0x1C080] =	vst v63  }
0x11d: {  	s26 =	simm.s32 $0x18880  }
0x11e: {  	[tilespmem:s26], [sflag:$0x2] =	stream.indirect_vreg.gather [hbm4b:s11+s3], $0x80, v3, vm0, $0xb8;
	[tilespmem:$0x1C080] =	vst v63  }
0x11f: {  	s26 =	simm.s32 $0x19080  }
0x120: {  	[tilespmem:s26], [sflag:$0x2] =	stream.indirect_vreg.gather [hbm4b:s12+s3], $0x80, v3, vm0, $0xb8;
	[tilespmem:$0x1C080] =	vst v63  }
0x121: {  	s26 =	simm.s32 $0x19880  }
0x122: {  	[tilespmem:s26], [sflag:$0x2] =	stream.indirect_vreg.gather [hbm4b:s13+s3], $0x80, v3, vm0, $0xb8;
	[tilespmem:$0x1C080] =	vst v63  }
0x123: {  	s26 =	simm.s32 $0x1A080  }
0x124: {  	[tilespmem:s26], [sflag:$0x2] =	stream.indirect_vreg.gather [hbm4b:s14+s3], $0x80, v3, vm0, $0xb8;
	[tilespmem:$0x1C080] =	vst v63  }
0x125: {  	s26 =	simm.s32 $0x1A880  }
0x126: {  	[tilespmem:s26], [sflag:$0x2] =	stream.indirect_vreg.gather [hbm4b:s15+s3], $0x80, v3, vm0, $0xb8;
	[tilespmem:$0x1C080] =	vst v63  }
0x127: {  	s26 =	simm.s32 $0x1B080  }
0x128: {  	[tilespmem:s26], [sflag:$0x2] =	stream.indirect_vreg.gather [hbm4b:s16+s3], $0x80, v3, vm0, $0xb8;
	[tilespmem:$0x1C080] =	vst v63  }
0x129: {  	p0 =	sne.s32 s25, $0x7000;
	s26 =	simm.s32 $0x1B880  }
0x12a: {  	[tilespmem:s26], [sflag:$0x2] =	stream.indirect_vreg.gather [hbm4b:s17+s3], $0x80, v3, vm0, $0xb8;
	[tilespmem:$0x1C080] =	vst v63  }
.Ltmp0:
0x12b: {  	_ =	swait.ge [sflag:s19], $0xE000;
	(pc) =	sbr.rel @p0 .LBB2_2-.Ltmp0, $4  }
0x12c: {  	s0 =	rddreg [dreg:$0x5];
	[sflag:s19] =	ssyncset.done $0x0  }
0x12d: {  	s31 =	simm.s32 $0xE080;
	[sflag:s19] =	ssyncadd.s32 $0xFFFF2000;
	s26 =	sadd.s32 s25, s0  }
0x12e: {  	[hbm4b:s26+s3] =	stream.linear.scatter [tilespmem:s20], [sflag:$0x3], $0xE000, $0x38;
	[tilespmem:$0x1C080] =	vst v63  }
0x12f: {  	s24 =	sadd.s32 $0x20, s24;
	s25 =	sadd.s32 $0x3800, s25;
	s26 =	simm.s32 $0x880  }
0x130: {  	_ =	swait.ge [sflag:s21], $0xE000  }
0x131: {  	[sflag:s21] =	ssyncset.done $0x0  }
0x132: {  	s24 =	rddreg [dreg:$0x8];
	[sflag:s21] =	ssyncadd.s32 $0xFFFF2000  }
0x133: {  	[hbm4b:s24+s3] =	stream.linear.scatter [tilespmem:s31], [sflag:$0x4], $0xE000, $0x38;
	[tilespmem:$0x1C080] =	vst v63  }
0x134: {  	_ =	swait.ge [sflag:s18], $0xE000  }
0x135: {  	[sflag:s18] =	ssyncset.done $0x0  }
0x136: {  	[sflag:s18] =	ssyncadd.s32 $0xFFFF2000  }
0x137: {  	_ =	swait.ge [sflag:s23], $0xE000  }
0x138: {  	s0 =	rddreg [dreg:$0xa]  }
0x139: {  	s25 =	rddreg [dreg:$0x9];
	s0 =	sadd.s32 $0x1, s0  }
0x13a: {  	p0 =	sne.s32 s0, s25  }
.Ltmp1:
0x13b: {  	_ = 	snop;
	(pc) =	sbr.rel @p0 .LBB2_1-.Ltmp1, $4  }
0x13c: {  	s28 =	simm.s32 $0x1880;
	s29 =	simm.s32 $0x2080;
	s30 =	simm.s32 $0x2880  }
0x13d: {  	s2 =	simm.s32 $0x3880;
	s4 =	simm.s32 $0x4080;
	[sflag:s23] =	ssyncset.done $0x0  }
0x13e: {  	s22 =	simm.s32 $0x4880;
	s20 =	simm.s32 $0x5080;
	[sflag:s23] =	ssyncadd.s32 $0xFFFF2000  }
0x13f: {  	[dreg:$0xa] =	wrdreg s0;
	s25 =	simm.s32 $0x1080;
	s0 =	simm.s32 $0x3080  }
0x140: {  	_ =	sfence.sel $0x180000  }
0x141: {  	[bflag:$0x0] =	sbarrier.arrive $0xFFFF  }
0x142: {  	_ =	strace $0x90000047  }
0x143: {  	s0 =	stileid.u32;
	[bflag:$0x2] =	sbarrier.arrive $0xFFFF  }
0x144: {  	p0 =	sne.s32 s0, $0x0;
	s0 =	rddreg [dreg:$0x3]  }
0x145: {  	s0 =	sadd.s32 @!p0 $0x100000, s0  }
0x146: {  	[sflag:s0] =	ssyncadd.tile.s32 @!p0 $0x1;
	_ =	shalt  }
.Lfunc_end2:
_tile_overlayer_lowered:
.L_overlay_start_2:
0x147: {  	(tag) =	ssettag $0x2  }
0x148: {  	s0 =	rddreg [dreg:$0x0];
	s2 =	stileid.u32  }
0x149: {  	s1 =	rddreg [dreg:$0x1];
	p0 =	sne.s32 s2, $0x0  }
0x14a: {  	s3 =	rddreg [dreg:$0x2];
	[bflag:$0x3] =	sbarrier.arrive $0xFFFF;
	s2 =	simm.s32 @!p0 $0x1C05  }
0x14b: {  	[timem:s3], [sflag:s2] =	dma.local @!p0 [hbm:s0], s1  }
0x14c: {  	s0 =	simm.s32 @!p0 $0x5  }
0x14d: {  	_ =	swait.ge @!p0 [sflag:s0], s1  }
0x14e: {  	s1 =	ssub.s32 @!p0 $0x0, s1;
	[sflag:s0] =	ssyncset.done @!p0 $0x0  }
0x14f: {  	[sflag:s0] =	ssyncadd.s32 @!p0 s1  }
0x150: {  	[bflag:$0x3] =	sbarrier.arrive $0xFFFF  }
0x151: {  	_ =	shalt  }

</sc_bundles>
